<compile_context>
chip_gen: v7x
topology: tpu7x:2x2x1
jax: 0.10.2.dev20260603
libtpu: 0.0.44.dev20260713+nightly
codegen_flags: <defaults>
</compile_context>

<pallas_src>
import functools

import jax
import jax.numpy as jnp
from jax import lax
from jax.experimental import pallas as pl
from jax.experimental.pallas import tpu as pltpu
from jax.experimental.pallas import tpu_sc as plsc

MT = 2048


def _argmin_body(zf_ref, cb_ref, cbb_ref, idx_ref):
    zf = zf_ref[...]
    cb = cb_ref[...]
    k = cb.shape[0]
    half = k // 2
    z2 = jnp.sum(zf * zf, axis=-1, keepdims=True)
    e2 = jnp.sum(cb * cb, axis=-1)
    mt = zf.shape[0]
    lanes = 128
    nch = half // lanes
    zb2 = (zf * -2.0).astype(jnp.bfloat16)
    e2rep = jnp.broadcast_to(e2[None, :], (mt, k))
    lane = lax.broadcasted_iota(jnp.int32, (mt, lanes), 1)
    hv, hi = [], []
    for h in range(2):
        m2 = lax.dot_general(zb2, cbb_ref[h * half:(h + 1) * half, :],
                             (((1,), (1,)), ((), ())),
                             preferred_element_type=jnp.float32)
        acc = jnp.full((mt, lanes), jnp.inf, jnp.float32)
        astep = jnp.zeros((mt, lanes), jnp.int32)
        for c in range(nch):
            col = c * lanes
            dc = (z2 + m2[:, col:col + lanes]) + e2rep[:, h * half + col:h * half + col + lanes]
            take = dc < acc
            acc = jnp.where(take, dc, acc)
            astep = jnp.where(take, c, astep)
        v = jnp.min(acc, axis=1)
        kc = astep * lanes + lane + h * half
        cand = jnp.where(acc == v[:, None], kc, k)
        hv.append(v)
        hi.append(jnp.min(cand, axis=1))
    v0b = hv[0].astype(jnp.bfloat16).astype(jnp.float32)
    idx_ref[0, 0, :] = jnp.where(hv[1] < v0b, hi[1], hi[0])


def _nearest_codeword(zf, codebook):
    m, d = zf.shape
    k = codebook.shape[0]
    nblk = m // MT
    idx3 = pl.pallas_call(
        _argmin_body,
        grid=(nblk,),
        in_specs=[
            pl.BlockSpec((MT, d), lambda i: (i, 0)),
            pl.BlockSpec((k, d), lambda i: (0, 0)),
            pl.BlockSpec((k, d), lambda i: (0, 0)),
        ],
        out_specs=pl.BlockSpec((1, 1, MT), lambda i: (i, 0, 0)),
        out_shape=jax.ShapeDtypeStruct((nblk, 1, MT), jnp.int32),
    )(zf, codebook, codebook.astype(jnp.bfloat16))
    return idx3.reshape(m)


def _make_sc_gather(k, d, m):
    info = plsc.get_sparse_core_info()
    nw = info.num_cores * info.num_subcores
    rows_per_w = m // nw
    mesh = plsc.VectorSubcoreMesh(core_axis_name="c", subcore_axis_name="s")

    @functools.partial(
        pl.kernel,
        out_type=jax.ShapeDtypeStruct((m, d), jnp.float32),
        mesh=mesh,
        scratch_types=[
            pltpu.VMEM((rows_per_w,), jnp.int32),
            pltpu.VMEM((rows_per_w, d), jnp.float32),
            pltpu.SemaphoreType.DMA,
        ],
        compiler_params=pltpu.CompilerParams(use_tc_tiling_on_sc=False),
    )
    def gather_kernel(cb_hbm, idx_hbm, out_hbm, idx_v, rows_v, sem):
        wid = lax.axis_index("s") * info.num_cores + lax.axis_index("c")
        base = wid * rows_per_w
        pltpu.sync_copy(idx_hbm.at[pl.ds(base, rows_per_w)], idx_v)
        pltpu.async_copy(cb_hbm.at[idx_v], rows_v, sem).wait()
        pltpu.sync_copy(rows_v, out_hbm.at[pl.ds(base, rows_per_w)])

    return gather_kernel


def kernel(z, codebook):
    b, t, d = z.shape
    k = codebook.shape[0]
    zf = z.reshape(-1, d)
    idx = _nearest_codeword(zf, codebook)
    zq = _make_sc_gather(k, d, b * t)(codebook, idx)
    return zq.reshape(b, t, d), idx.reshape(b, t)

# --- scband reference (transcript-rebuilt; emitter-appended) ---
"""Pipeline reference for scband-vq-wav2-vec-15152644620351 (READ-ONLY COPY).

The authoritative reference and input builder live on the scoring server;
editing this copy changes nothing except your own understanding.
"""

import jax, jax.numpy as jnp
import numpy as np

B, T, D, K = 16, 2048, 32, 8192

def setup_inputs(seed: int = 0) -> dict:
    key = jax.random.key(seed)
    k1, k2 = jax.random.split(key)
    z = jax.random.normal(k1, (B, T, D), dtype=jnp.float32)
    codebook = jax.random.normal(k2, (K, D), dtype=jnp.float32) * 0.02
    return {"z": z, "codebook": codebook}

def reference(z, codebook):
    # vq-wav2vec kmeans vector quantizer (single group):
    # nearest-codeword lookup + straight-through estimator.
    b, t, d = z.shape
    zf = z.reshape(-1, d)                                   # [B*T, D]
    # squared L2 distances ||z - e||^2 = ||z||^2 - 2 z.e + ||e||^2
    dists = (jnp.sum(zf * zf, axis=-1, keepdims=True)
             - 2.0 * (zf @ codebook.T)
             + jnp.sum(codebook * codebook, axis=-1)[None, :])  # [B*T, K]
    idx = jnp.argmin(dists, axis=-1)                        # [B*T]
    q = jnp.take(codebook, idx, axis=0)                     # gather codewords
    zq = zf + jax.lax.stop_gradient(q - zf)                 # straight-through
    return zq.reshape(b, t, d), idx.reshape(b, t)

if __name__ == "__main__":
    import jax
    _d = setup_inputs()
    print(jax.jit(kernel)(*tuple(_d.values())))

</pallas_src>

<mosaic_0001>
#map = affine_map<(d0, d1) -> (0, 0)>
#map1 = affine_map<(d0, d1) -> (0)>
module attributes {stable_mosaic.version = 14 : i64} {
  func.func @gather_kernel(%arg0: i32, %arg1: i32, %arg2: memref<8192x32xf32, #tpu.memory_space<hbm>>, %arg3: memref<32768xi32, #tpu.memory_space<hbm>>, %arg4: memref<32768x32xf32, #tpu.memory_space<hbm>>, %arg5: memref<1024xi32, #tpu.memory_space<vmem>>, %arg6: memref<1024x32xf32, #tpu.memory_space<vmem>>, %arg7: memref<!tpu.dma_semaphore, #tpu.memory_space<semaphore_mem>>) attributes {dimension_semantics = [#tpu.dimension_semantics<core_parallel>, #tpu.dimension_semantics<subcore_parallel>], iteration_bounds = array<i64: 2, 16>, scalar_prefetch = 0 : i64, scratch_operands = 3 : i64, tpu.core_type = #tpu.core_type<sc_vector_subcore>, window_params = [{transform_indices = #map}, {transform_indices = #map1}, {transform_indices = #map}]} {
    %mul3A = arith.constant 2 : i32
    %mul3A_0 = arith.muli %arg1, %mul3A : i32
    %add3A = arith.addi %mul3A_0, %arg0 : i32
    %mul3A_1 = arith.constant 1024 : i32
    %mul3A_2 = arith.muli %add3A, %mul3A_1 : i32
    "tpu.region"() ({
      %run_scoped3A = tpu.sem_alloc : memref<!tpu.dma_semaphore, #tpu.memory_space<semaphore_mem>>
      %dma_start3A_7 = tpu.memref_slice %arg3[%mul3A_2] : memref<32768xi32, #tpu.memory_space<hbm>> -> memref<1024xi32, #tpu.memory_space<hbm>>
      %dma_start3A_8 = tpu.memref_slice %arg3[%mul3A_2] : memref<32768xi32, #tpu.memory_space<hbm>> -> memref<1024xi32, #tpu.memory_space<hbm>>
      tpu.enqueue_dma source(%dma_start3A_8 : memref<1024xi32, #tpu.memory_space<hbm>>) target(%arg5 : memref<1024xi32, #tpu.memory_space<vmem>>) target_semaphore(%run_scoped3A : memref<!tpu.dma_semaphore, #tpu.memory_space<semaphore_mem>>)
      %dma_wait3A_9 = tpu.memref_slice %arg3[%mul3A_2] : memref<32768xi32, #tpu.memory_space<hbm>> -> memref<1024xi32, #tpu.memory_space<hbm>>
      %dma_wait3A_10 = tpu.memref_slice %arg3[%mul3A_2] : memref<32768xi32, #tpu.memory_space<hbm>> -> memref<1024xi32, #tpu.memory_space<hbm>>
      tpu.wait_dma2 semaphore(%run_scoped3A : memref<!tpu.dma_semaphore, #tpu.memory_space<semaphore_mem>>) src(%dma_wait3A_10 : memref<1024xi32, #tpu.memory_space<hbm>>) dst(%arg5 : memref<1024xi32, #tpu.memory_space<vmem>>)
      tpu.yield
    }) : () -> ()
    %dma_start3A = arith.constant 0 : i32
    %dma_start3A_3 = arith.constant 0 : i32
    %dma_start3A_4 = tpu.memref_slice %arg2[%dma_start3A, %dma_start3A_3] : memref<8192x32xf32, #tpu.memory_space<hbm>> -> memref<8192x32xf32, #tpu.memory_space<hbm>>
    tpu.enqueue_indirect_dma source(%dma_start3A_4 : memref<8192x32xf32, #tpu.memory_space<hbm>>) target(%arg6 : memref<1024x32xf32, #tpu.memory_space<vmem>>) offsets(%arg5 : memref<1024xi32, #tpu.memory_space<vmem>>) semaphore(%arg7 : memref<!tpu.dma_semaphore, #tpu.memory_space<semaphore_mem>>)
    %dma_wait3A = arith.constant 0 : i32
    %dma_wait3A_5 = arith.constant 0 : i32
    %dma_wait3A_6 = tpu.memref_slice %arg2[%dma_wait3A, %dma_wait3A_5] : memref<8192x32xf32, #tpu.memory_space<hbm>> -> memref<8192x32xf32, #tpu.memory_space<hbm>>
    tpu.wait_indirect_dma semaphore(%arg7 : memref<!tpu.dma_semaphore, #tpu.memory_space<semaphore_mem>>) src(%dma_wait3A_6 : memref<8192x32xf32, #tpu.memory_space<hbm>>) dst(%arg6 : memref<1024x32xf32, #tpu.memory_space<vmem>>)
    "tpu.region"() ({
      %run_scoped3A = tpu.sem_alloc : memref<!tpu.dma_semaphore, #tpu.memory_space<semaphore_mem>>
      %dma_start3A_7 = arith.constant 0 : i32
      %dma_start3A_8 = tpu.memref_slice %arg4[%mul3A_2, %dma_start3A_7] : memref<32768x32xf32, #tpu.memory_space<hbm>> -> memref<1024x32xf32, #tpu.memory_space<hbm>>
      %dma_start3A_9 = arith.constant 0 : i32
      %dma_start3A_10 = tpu.memref_slice %arg4[%mul3A_2, %dma_start3A_9] : memref<32768x32xf32, #tpu.memory_space<hbm>> -> memref<1024x32xf32, #tpu.memory_space<hbm>>
      tpu.enqueue_dma source(%arg6 : memref<1024x32xf32, #tpu.memory_space<vmem>>) target(%dma_start3A_10 : memref<1024x32xf32, #tpu.memory_space<hbm>>) target_semaphore(%run_scoped3A : memref<!tpu.dma_semaphore, #tpu.memory_space<semaphore_mem>>)
      %dma_wait3A_11 = arith.constant 0 : i32
      %dma_wait3A_12 = tpu.memref_slice %arg4[%mul3A_2, %dma_wait3A_11] : memref<32768x32xf32, #tpu.memory_space<hbm>> -> memref<1024x32xf32, #tpu.memory_space<hbm>>
      %dma_wait3A_13 = arith.constant 0 : i32
      %dma_wait3A_14 = tpu.memref_slice %arg4[%mul3A_2, %dma_wait3A_13] : memref<32768x32xf32, #tpu.memory_space<hbm>> -> memref<1024x32xf32, #tpu.memory_space<hbm>>
      tpu.wait_dma2 semaphore(%run_scoped3A : memref<!tpu.dma_semaphore, #tpu.memory_space<semaphore_mem>>) src(%arg6 : memref<1024x32xf32, #tpu.memory_space<vmem>>) dst(%dma_wait3A_14 : memref<1024x32xf32, #tpu.memory_space<hbm>>)
      tpu.yield
    }) : () -> ()
    return
  }
}

module attributes {stable_mosaic.version = 14 : i64} {
  func.func @_argmin_body(%arg0: i32, %arg1: memref<2048x32xf32, #tpu.memory_space<vmem>>, %arg2: memref<8192x32xf32, #tpu.memory_space<vmem>>, %arg3: memref<8192x32xbf16, #tpu.memory_space<vmem>>, %arg4: memref<1x1x2048xi32, #tpu.memory_space<vmem>>) attributes {dimension_semantics = [#tpu.dimension_semantics<arbitrary>], iteration_bounds = array<i64: 16>, scalar_prefetch = 0 : i64, scratch_operands = 0 : i64, tpu.core_type = #tpu.core_type<tc>, window_params = [{transform_indices = @transform_0, window_bounds = array<i64: 2048, 32>}, {pipeline_mode = #tpu.pipeline_mode<synchronous>, transform_indices = @transform_1, window_bounds = array<i64: 8192, 32>}, {pipeline_mode = #tpu.pipeline_mode<synchronous>, transform_indices = @transform_2, window_bounds = array<i64: 8192, 32>}, {transform_indices = @transform_3, window_bounds = array<i64: 1, 1, 2048>}]} {
    %get3A = arith.constant 0 : index
    %get3A_0 = arith.constant 0 : index
    %get3A_1 = vector.load %arg1[%get3A, %get3A_0] : memref<2048x32xf32, #tpu.memory_space<vmem>>, vector<2048x32xf32>
    %get3A_2 = arith.constant 0 : index
    %get3A_3 = arith.constant 0 : index
    %get3A_4 = vector.load %arg2[%get3A_2, %get3A_3] : memref<8192x32xf32, #tpu.memory_space<vmem>>, vector<8192x32xf32>
    %mul3A = arith.mulf %get3A_1, %get3A_1 : vector<2048x32xf32>
    %reduce_sum3A = arith.constant dense<0.000000e+00> : vector<2048xf32>
    %reduce_sum3A_5 = vector.multi_reduction <add>, %mul3A, %reduce_sum3A [1] : vector<2048x32xf32> to vector<2048xf32>
    %broadcast_in_dim3A = vector.shape_cast %reduce_sum3A_5 : vector<2048xf32> to vector<2048x1xf32>
    %mul3A_6 = arith.mulf %get3A_4, %get3A_4 : vector<8192x32xf32>
    %reduce_sum3A_7 = arith.constant dense<0.000000e+00> : vector<8192xf32>
    %reduce_sum3A_8 = vector.multi_reduction <add>, %mul3A_6, %reduce_sum3A_7 [1] : vector<8192x32xf32> to vector<8192xf32>
    %mul3A_9 = arith.constant -2.000000e+00 : f32
    %mul3A_10 = vector.broadcast %mul3A_9 : f32 to vector<2048x32xf32>
    %mul3A_11 = arith.mulf %get3A_1, %mul3A_10 : vector<2048x32xf32>
    %convert_element_type3A = arith.truncf %mul3A_11 : vector<2048x32xf32> to vector<2048x32xbf16>
    %broadcast_in_dim3A_12 = vector.shape_cast %reduce_sum3A_8 : vector<8192xf32> to vector<1x8192xf32>
    %broadcast_in_dim3A_13 = vector.shape_cast %broadcast_in_dim3A_12 : vector<1x8192xf32> to vector<1x8192xf32>
    %broadcast_in_dim3A_14 = vector.broadcast %broadcast_in_dim3A_13 : vector<1x8192xf32> to vector<2048x8192xf32>
    %iota3A = tpu.iota {dimensions = array<i32: 1>} : vector<2048x128xi32>
    %get3A_15 = arith.constant 0 : index
    %get3A_16 = arith.constant 0 : index
    %get3A_17 = vector.load %arg3[%get3A_15, %get3A_16] : memref<8192x32xbf16, #tpu.memory_space<vmem>>, vector<4096x32xbf16>
    %dot_general3A = arith.constant dense<0.000000e+00> : vector<2048x4096xf32>
    %dot_general3A_18 = tpu.matmul %convert_element_type3A, %get3A_17, %dot_general3A {dimension_numbers = #tpu.dot_dimension_numbers<[1], [1], [0], [0], [0, 0, 1, 0], [], []>, transpose_lhs_hint = false} : vector<2048x32xbf16>, vector<4096x32xbf16>, vector<2048x4096xf32> -> vector<2048x4096xf32>
    %broadcast_in_dim3A_19 = arith.constant 0x7F800000 : f32
    %broadcast_in_dim3A_20 = vector.broadcast %broadcast_in_dim3A_19 : f32 to vector<2048x128xf32>
    %broadcast_in_dim3A_21 = arith.constant 0 : i32
    %broadcast_in_dim3A_22 = vector.broadcast %broadcast_in_dim3A_21 : i32 to vector<2048x128xi32>
    %slice3A = vector.extract_strided_slice %dot_general3A_18 {offsets = [0, 0], sizes = [2048, 128], strides = [1, 1]} : vector<2048x4096xf32> to vector<2048x128xf32>
    %add3A = vector.broadcast %broadcast_in_dim3A : vector<2048x1xf32> to vector<2048x128xf32>
    %add3A_23 = arith.addf %add3A, %slice3A : vector<2048x128xf32>
    %slice3A_24 = vector.extract_strided_slice %broadcast_in_dim3A_14 {offsets = [0, 0], sizes = [2048, 128], strides = [1, 1]} : vector<2048x8192xf32> to vector<2048x128xf32>
    %add3A_25 = arith.addf %add3A_23, %slice3A_24 : vector<2048x128xf32>
    %lt3A = arith.cmpf olt, %add3A_25, %broadcast_in_dim3A_20 : vector<2048x128xf32>
    %select_n3A = arith.select %lt3A, %add3A_25, %broadcast_in_dim3A_20 : vector<2048x128xi1>, vector<2048x128xf32>
    %jit3A = arith.constant 0 : i32
    %broadcast_in_dim3A_26 = vector.broadcast %jit3A : i32 to vector<2048x128xi32>
    %select_n3A_27 = arith.select %lt3A, %broadcast_in_dim3A_26, %broadcast_in_dim3A_22 : vector<2048x128xi1>, vector<2048x128xi32>
    %slice3A_28 = vector.extract_strided_slice %dot_general3A_18 {offsets = [0, 128], sizes = [2048, 128], strides = [1, 1]} : vector<2048x4096xf32> to vector<2048x128xf32>
    %add3A_29 = vector.broadcast %broadcast_in_dim3A : vector<2048x1xf32> to vector<2048x128xf32>
    %add3A_30 = arith.addf %add3A_29, %slice3A_28 : vector<2048x128xf32>
    %slice3A_31 = vector.extract_strided_slice %broadcast_in_dim3A_14 {offsets = [0, 128], sizes = [2048, 128], strides = [1, 1]} : vector<2048x8192xf32> to vector<2048x128xf32>
    %add3A_32 = arith.addf %add3A_30, %slice3A_31 : vector<2048x128xf32>
    %lt3A_33 = arith.cmpf olt, %add3A_32, %select_n3A : vector<2048x128xf32>
    %select_n3A_34 = arith.select %lt3A_33, %add3A_32, %select_n3A : vector<2048x128xi1>, vector<2048x128xf32>
    %jit3A_35 = arith.constant 1 : i32
    %broadcast_in_dim3A_36 = vector.broadcast %jit3A_35 : i32 to vector<2048x128xi32>
    %select_n3A_37 = arith.select %lt3A_33, %broadcast_in_dim3A_36, %select_n3A_27 : vector<2048x128xi1>, vector<2048x128xi32>
    %slice3A_38 = vector.extract_strided_slice %dot_general3A_18 {offsets = [0, 256], sizes = [2048, 128], strides = [1, 1]} : vector<2048x4096xf32> to vector<2048x128xf32>
    %add3A_39 = vector.broadcast %broadcast_in_dim3A : vector<2048x1xf32> to vector<2048x128xf32>
    %add3A_40 = arith.addf %add3A_39, %slice3A_38 : vector<2048x128xf32>
    %slice3A_41 = vector.extract_strided_slice %broadcast_in_dim3A_14 {offsets = [0, 256], sizes = [2048, 128], strides = [1, 1]} : vector<2048x8192xf32> to vector<2048x128xf32>
    %add3A_42 = arith.addf %add3A_40, %slice3A_41 : vector<2048x128xf32>
    %lt3A_43 = arith.cmpf olt, %add3A_42, %select_n3A_34 : vector<2048x128xf32>
    %select_n3A_44 = arith.select %lt3A_43, %add3A_42, %select_n3A_34 : vector<2048x128xi1>, vector<2048x128xf32>
    %jit3A_45 = arith.constant 2 : i32
    %broadcast_in_dim3A_46 = vector.broadcast %jit3A_45 : i32 to vector<2048x128xi32>
    %select_n3A_47 = arith.select %lt3A_43, %broadcast_in_dim3A_46, %select_n3A_37 : vector<2048x128xi1>, vector<2048x128xi32>
    %slice3A_48 = vector.extract_strided_slice %dot_general3A_18 {offsets = [0, 384], sizes = [2048, 128], strides = [1, 1]} : vector<2048x4096xf32> to vector<2048x128xf32>
    %add3A_49 = vector.broadcast %broadcast_in_dim3A : vector<2048x1xf32> to vector<2048x128xf32>
    %add3A_50 = arith.addf %add3A_49, %slice3A_48 : vector<2048x128xf32>
    %slice3A_51 = vector.extract_strided_slice %broadcast_in_dim3A_14 {offsets = [0, 384], sizes = [2048, 128], strides = [1, 1]} : vector<2048x8192xf32> to vector<2048x128xf32>
    %add3A_52 = arith.addf %add3A_50, %slice3A_51 : vector<2048x128xf32>
    %lt3A_53 = arith.cmpf olt, %add3A_52, %select_n3A_44 : vector<2048x128xf32>
    %select_n3A_54 = arith.select %lt3A_53, %add3A_52, %select_n3A_44 : vector<2048x128xi1>, vector<2048x128xf32>
    %jit3A_55 = arith.constant 3 : i32
    %broadcast_in_dim3A_56 = vector.broadcast %jit3A_55 : i32 to vector<2048x128xi32>
    %select_n3A_57 = arith.select %lt3A_53, %broadcast_in_dim3A_56, %select_n3A_47 : vector<2048x128xi1>, vector<2048x128xi32>
    %slice3A_58 = vector.extract_strided_slice %dot_general3A_18 {offsets = [0, 512], sizes = [2048, 128], strides = [1, 1]} : vector<2048x4096xf32> to vector<2048x128xf32>
    %add3A_59 = vector.broadcast %broadcast_in_dim3A : vector<2048x1xf32> to vector<2048x128xf32>
    %add3A_60 = arith.addf %add3A_59, %slice3A_58 : vector<2048x128xf32>
    %slice3A_61 = vector.extract_strided_slice %broadcast_in_dim3A_14 {offsets = [0, 512], sizes = [2048, 128], strides = [1, 1]} : vector<2048x8192xf32> to vector<2048x128xf32>
    %add3A_62 = arith.addf %add3A_60, %slice3A_61 : vector<2048x128xf32>
    %lt3A_63 = arith.cmpf olt, %add3A_62, %select_n3A_54 : vector<2048x128xf32>
    %select_n3A_64 = arith.select %lt3A_63, %add3A_62, %select_n3A_54 : vector<2048x128xi1>, vector<2048x128xf32>
    %jit3A_65 = arith.constant 4 : i32
    %broadcast_in_dim3A_66 = vector.broadcast %jit3A_65 : i32 to vector<2048x128xi32>
    %select_n3A_67 = arith.select %lt3A_63, %broadcast_in_dim3A_66, %select_n3A_57 : vector<2048x128xi1>, vector<2048x128xi32>
    %slice3A_68 = vector.extract_strided_slice %dot_general3A_18 {offsets = [0, 640], sizes = [2048, 128], strides = [1, 1]} : vector<2048x4096xf32> to vector<2048x128xf32>
    %add3A_69 = vector.broadcast %broadcast_in_dim3A : vector<2048x1xf32> to vector<2048x128xf32>
    %add3A_70 = arith.addf %add3A_69, %slice3A_68 : vector<2048x128xf32>
    %slice3A_71 = vector.extract_strided_slice %broadcast_in_dim3A_14 {offsets = [0, 640], sizes = [2048, 128], strides = [1, 1]} : vector<2048x8192xf32> to vector<2048x128xf32>
    %add3A_72 = arith.addf %add3A_70, %slice3A_71 : vector<2048x128xf32>
    %lt3A_73 = arith.cmpf olt, %add3A_72, %select_n3A_64 : vector<2048x128xf32>
    %select_n3A_74 = arith.select %lt3A_73, %add3A_72, %select_n3A_64 : vector<2048x128xi1>, vector<2048x128xf32>
    %jit3A_75 = arith.constant 5 : i32
    %broadcast_in_dim3A_76 = vector.broadcast %jit3A_75 : i32 to vector<2048x128xi32>
    %select_n3A_77 = arith.select %lt3A_73, %broadcast_in_dim3A_76, %select_n3A_67 : vector<2048x128xi1>, vector<2048x128xi32>
    %slice3A_78 = vector.extract_strided_slice %dot_general3A_18 {offsets = [0, 768], sizes = [2048, 128], strides = [1, 1]} : vector<2048x4096xf32> to vector<2048x128xf32>
    %add3A_79 = vector.broadcast %broadcast_in_dim3A : vector<2048x1xf32> to vector<2048x128xf32>
    %add3A_80 = arith.addf %add3A_79, %slice3A_78 : vector<2048x128xf32>
    %slice3A_81 = vector.extract_strided_slice %broadcast_in_dim3A_14 {offsets = [0, 768], sizes = [2048, 128], strides = [1, 1]} : vector<2048x8192xf32> to vector<2048x128xf32>
    %add3A_82 = arith.addf %add3A_80, %slice3A_81 : vector<2048x128xf32>
    %lt3A_83 = arith.cmpf olt, %add3A_82, %select_n3A_74 : vector<2048x128xf32>
    %select_n3A_84 = arith.select %lt3A_83, %add3A_82, %select_n3A_74 : vector<2048x128xi1>, vector<2048x128xf32>
    %jit3A_85 = arith.constant 6 : i32
    %broadcast_in_dim3A_86 = vector.broadcast %jit3A_85 : i32 to vector<2048x128xi32>
    %select_n3A_87 = arith.select %lt3A_83, %broadcast_in_dim3A_86, %select_n3A_77 : vector<2048x128xi1>, vector<2048x128xi32>
    %slice3A_88 = vector.extract_strided_slice %dot_general3A_18 {offsets = [0, 896], sizes = [2048, 128], strides = [1, 1]} : vector<2048x4096xf32> to vector<2048x128xf32>
    %add3A_89 = vector.broadcast %broadcast_in_dim3A : vector<2048x1xf32> to vector<2048x128xf32>
    %add3A_90 = arith.addf %add3A_89, %slice3A_88 : vector<2048x128xf32>
    %slice3A_91 = vector.extract_strided_slice %broadcast_in_dim3A_14 {offsets = [0, 896], sizes = [2048, 128], strides = [1, 1]} : vector<2048x8192xf32> to vector<2048x128xf32>
    %add3A_92 = arith.addf %add3A_90, %slice3A_91 : vector<2048x128xf32>
    %lt3A_93 = arith.cmpf olt, %add3A_92, %select_n3A_84 : vector<2048x128xf32>
    %select_n3A_94 = arith.select %lt3A_93, %add3A_92, %select_n3A_84 : vector<2048x128xi1>, vector<2048x128xf32>
    %jit3A_95 = arith.constant 7 : i32
    %broadcast_in_dim3A_96 = vector.broadcast %jit3A_95 : i32 to vector<2048x128xi32>
    %select_n3A_97 = arith.select %lt3A_93, %broadcast_in_dim3A_96, %select_n3A_87 : vector<2048x128xi1>, vector<2048x128xi32>
    %slice3A_98 = vector.extract_strided_slice %dot_general3A_18 {offsets = [0, 1024], sizes = [2048, 128], strides = [1, 1]} : vector<2048x4096xf32> to vector<2048x128xf32>
    %add3A_99 = vector.broadcast %broadcast_in_dim3A : vector<2048x1xf32> to vector<2048x128xf32>
    %add3A_100 = arith.addf %add3A_99, %slice3A_98 : vector<2048x128xf32>
    %slice3A_101 = vector.extract_strided_slice %broadcast_in_dim3A_14 {offsets = [0, 1024], sizes = [2048, 128], strides = [1, 1]} : vector<2048x8192xf32> to vector<2048x128xf32>
    %add3A_102 = arith.addf %add3A_100, %slice3A_101 : vector<2048x128xf32>
    %lt3A_103 = arith.cmpf olt, %add3A_102, %select_n3A_94 : vector<2048x128xf32>
    %select_n3A_104 = arith.select %lt3A_103, %add3A_102, %select_n3A_94 : vector<2048x128xi1>, vector<2048x128xf32>
    %jit3A_105 = arith.constant 8 : i32
    %broadcast_in_dim3A_106 = vector.broadcast %jit3A_105 : i32 to vector<2048x128xi32>
    %select_n3A_107 = arith.select %lt3A_103, %broadcast_in_dim3A_106, %select_n3A_97 : vector<2048x128xi1>, vector<2048x128xi32>
    %slice3A_108 = vector.extract_strided_slice %dot_general3A_18 {offsets = [0, 1152], sizes = [2048, 128], strides = [1, 1]} : vector<2048x4096xf32> to vector<2048x128xf32>
    %add3A_109 = vector.broadcast %broadcast_in_dim3A : vector<2048x1xf32> to vector<2048x128xf32>
    %add3A_110 = arith.addf %add3A_109, %slice3A_108 : vector<2048x128xf32>
    %slice3A_111 = vector.extract_strided_slice %broadcast_in_dim3A_14 {offsets = [0, 1152], sizes = [2048, 128], strides = [1, 1]} : vector<2048x8192xf32> to vector<2048x128xf32>
    %add3A_112 = arith.addf %add3A_110, %slice3A_111 : vector<2048x128xf32>
    %lt3A_113 = arith.cmpf olt, %add3A_112, %select_n3A_104 : vector<2048x128xf32>
    %select_n3A_114 = arith.select %lt3A_113, %add3A_112, %select_n3A_104 : vector<2048x128xi1>, vector<2048x128xf32>
    %jit3A_115 = arith.constant 9 : i32
    %broadcast_in_dim3A_116 = vector.broadcast %jit3A_115 : i32 to vector<2048x128xi32>
    %select_n3A_117 = arith.select %lt3A_113, %broadcast_in_dim3A_116, %select_n3A_107 : vector<2048x128xi1>, vector<2048x128xi32>
    %slice3A_118 = vector.extract_strided_slice %dot_general3A_18 {offsets = [0, 1280], sizes = [2048, 128], strides = [1, 1]} : vector<2048x4096xf32> to vector<2048x128xf32>
    %add3A_119 = vector.broadcast %broadcast_in_dim3A : vector<2048x1xf32> to vector<2048x128xf32>
    %add3A_120 = arith.addf %add3A_119, %slice3A_118 : vector<2048x128xf32>
    %slice3A_121 = vector.extract_strided_slice %broadcast_in_dim3A_14 {offsets = [0, 1280], sizes = [2048, 128], strides = [1, 1]} : vector<2048x8192xf32> to vector<2048x128xf32>
    %add3A_122 = arith.addf %add3A_120, %slice3A_121 : vector<2048x128xf32>
    %lt3A_123 = arith.cmpf olt, %add3A_122, %select_n3A_114 : vector<2048x128xf32>
    %select_n3A_124 = arith.select %lt3A_123, %add3A_122, %select_n3A_114 : vector<2048x128xi1>, vector<2048x128xf32>
    %jit3A_125 = arith.constant 10 : i32
    %broadcast_in_dim3A_126 = vector.broadcast %jit3A_125 : i32 to vector<2048x128xi32>
    %select_n3A_127 = arith.select %lt3A_123, %broadcast_in_dim3A_126, %select_n3A_117 : vector<2048x128xi1>, vector<2048x128xi32>
    %slice3A_128 = vector.extract_strided_slice %dot_general3A_18 {offsets = [0, 1408], sizes = [2048, 128], strides = [1, 1]} : vector<2048x4096xf32> to vector<2048x128xf32>
    %add3A_129 = vector.broadcast %broadcast_in_dim3A : vector<2048x1xf32> to vector<2048x128xf32>
    %add3A_130 = arith.addf %add3A_129, %slice3A_128 : vector<2048x128xf32>
    %slice3A_131 = vector.extract_strided_slice %broadcast_in_dim3A_14 {offsets = [0, 1408], sizes = [2048, 128], strides = [1, 1]} : vector<2048x8192xf32> to vector<2048x128xf32>
    %add3A_132 = arith.addf %add3A_130, %slice3A_131 : vector<2048x128xf32>
    %lt3A_133 = arith.cmpf olt, %add3A_132, %select_n3A_124 : vector<2048x128xf32>
    %select_n3A_134 = arith.select %lt3A_133, %add3A_132, %select_n3A_124 : vector<2048x128xi1>, vector<2048x128xf32>
    %jit3A_135 = arith.constant 11 : i32
    %broadcast_in_dim3A_136 = vector.broadcast %jit3A_135 : i32 to vector<2048x128xi32>
    %select_n3A_137 = arith.select %lt3A_133, %broadcast_in_dim3A_136, %select_n3A_127 : vector<2048x128xi1>, vector<2048x128xi32>
    %slice3A_138 = vector.extract_strided_slice %dot_general3A_18 {offsets = [0, 1536], sizes = [2048, 128], strides = [1, 1]} : vector<2048x4096xf32> to vector<2048x128xf32>
    %add3A_139 = vector.broadcast %broadcast_in_dim3A : vector<2048x1xf32> to vector<2048x128xf32>
    %add3A_140 = arith.addf %add3A_139, %slice3A_138 : vector<2048x128xf32>
    %slice3A_141 = vector.extract_strided_slice %broadcast_in_dim3A_14 {offsets = [0, 1536], sizes = [2048, 128], strides = [1, 1]} : vector<2048x8192xf32> to vector<2048x128xf32>
    %add3A_142 = arith.addf %add3A_140, %slice3A_141 : vector<2048x128xf32>
    %lt3A_143 = arith.cmpf olt, %add3A_142, %select_n3A_134 : vector<2048x128xf32>
    %select_n3A_144 = arith.select %lt3A_143, %add3A_142, %select_n3A_134 : vector<2048x128xi1>, vector<2048x128xf32>
    %jit3A_145 = arith.constant 12 : i32
    %broadcast_in_dim3A_146 = vector.broadcast %jit3A_145 : i32 to vector<2048x128xi32>
    %select_n3A_147 = arith.select %lt3A_143, %broadcast_in_dim3A_146, %select_n3A_137 : vector<2048x128xi1>, vector<2048x128xi32>
    %slice3A_148 = vector.extract_strided_slice %dot_general3A_18 {offsets = [0, 1664], sizes = [2048, 128], strides = [1, 1]} : vector<2048x4096xf32> to vector<2048x128xf32>
    %add3A_149 = vector.broadcast %broadcast_in_dim3A : vector<2048x1xf32> to vector<2048x128xf32>
    %add3A_150 = arith.addf %add3A_149, %slice3A_148 : vector<2048x128xf32>
    %slice3A_151 = vector.extract_strided_slice %broadcast_in_dim3A_14 {offsets = [0, 1664], sizes = [2048, 128], strides = [1, 1]} : vector<2048x8192xf32> to vector<2048x128xf32>
    %add3A_152 = arith.addf %add3A_150, %slice3A_151 : vector<2048x128xf32>
    %lt3A_153 = arith.cmpf olt, %add3A_152, %select_n3A_144 : vector<2048x128xf32>
    %select_n3A_154 = arith.select %lt3A_153, %add3A_152, %select_n3A_144 : vector<2048x128xi1>, vector<2048x128xf32>
    %jit3A_155 = arith.constant 13 : i32
    %broadcast_in_dim3A_156 = vector.broadcast %jit3A_155 : i32 to vector<2048x128xi32>
    %select_n3A_157 = arith.select %lt3A_153, %broadcast_in_dim3A_156, %select_n3A_147 : vector<2048x128xi1>, vector<2048x128xi32>
    %slice3A_158 = vector.extract_strided_slice %dot_general3A_18 {offsets = [0, 1792], sizes = [2048, 128], strides = [1, 1]} : vector<2048x4096xf32> to vector<2048x128xf32>
    %add3A_159 = vector.broadcast %broadcast_in_dim3A : vector<2048x1xf32> to vector<2048x128xf32>
    %add3A_160 = arith.addf %add3A_159, %slice3A_158 : vector<2048x128xf32>
    %slice3A_161 = vector.extract_strided_slice %broadcast_in_dim3A_14 {offsets = [0, 1792], sizes = [2048, 128], strides = [1, 1]} : vector<2048x8192xf32> to vector<2048x128xf32>
    %add3A_162 = arith.addf %add3A_160, %slice3A_161 : vector<2048x128xf32>
    %lt3A_163 = arith.cmpf olt, %add3A_162, %select_n3A_154 : vector<2048x128xf32>
    %select_n3A_164 = arith.select %lt3A_163, %add3A_162, %select_n3A_154 : vector<2048x128xi1>, vector<2048x128xf32>
    %jit3A_165 = arith.constant 14 : i32
    %broadcast_in_dim3A_166 = vector.broadcast %jit3A_165 : i32 to vector<2048x128xi32>
    %select_n3A_167 = arith.select %lt3A_163, %broadcast_in_dim3A_166, %select_n3A_157 : vector<2048x128xi1>, vector<2048x128xi32>
    %slice3A_168 = vector.extract_strided_slice %dot_general3A_18 {offsets = [0, 1920], sizes = [2048, 128], strides = [1, 1]} : vector<2048x4096xf32> to vector<2048x128xf32>
    %add3A_169 = vector.broadcast %broadcast_in_dim3A : vector<2048x1xf32> to vector<2048x128xf32>
    %add3A_170 = arith.addf %add3A_169, %slice3A_168 : vector<2048x128xf32>
    %slice3A_171 = vector.extract_strided_slice %broadcast_in_dim3A_14 {offsets = [0, 1920], sizes = [2048, 128], strides = [1, 1]} : vector<2048x8192xf32> to vector<2048x128xf32>
    %add3A_172 = arith.addf %add3A_170, %slice3A_171 : vector<2048x128xf32>
    %lt3A_173 = arith.cmpf olt, %add3A_172, %select_n3A_164 : vector<2048x128xf32>
    %select_n3A_174 = arith.select %lt3A_173, %add3A_172, %select_n3A_164 : vector<2048x128xi1>, vector<2048x128xf32>
    %jit3A_175 = arith.constant 15 : i32
    %broadcast_in_dim3A_176 = vector.broadcast %jit3A_175 : i32 to vector<2048x128xi32>
    %select_n3A_177 = arith.select %lt3A_173, %broadcast_in_dim3A_176, %select_n3A_167 : vector<2048x128xi1>, vector<2048x128xi32>
    %slice3A_178 = vector.extract_strided_slice %dot_general3A_18 {offsets = [0, 2048], sizes = [2048, 128], strides = [1, 1]} : vector<2048x4096xf32> to vector<2048x128xf32>
    %add3A_179 = vector.broadcast %broadcast_in_dim3A : vector<2048x1xf32> to vector<2048x128xf32>
    %add3A_180 = arith.addf %add3A_179, %slice3A_178 : vector<2048x128xf32>
    %slice3A_181 = vector.extract_strided_slice %broadcast_in_dim3A_14 {offsets = [0, 2048], sizes = [2048, 128], strides = [1, 1]} : vector<2048x8192xf32> to vector<2048x128xf32>
    %add3A_182 = arith.addf %add3A_180, %slice3A_181 : vector<2048x128xf32>
    %lt3A_183 = arith.cmpf olt, %add3A_182, %select_n3A_174 : vector<2048x128xf32>
    %select_n3A_184 = arith.select %lt3A_183, %add3A_182, %select_n3A_174 : vector<2048x128xi1>, vector<2048x128xf32>
    %jit3A_185 = arith.constant 16 : i32
    %broadcast_in_dim3A_186 = vector.broadcast %jit3A_185 : i32 to vector<2048x128xi32>
    %select_n3A_187 = arith.select %lt3A_183, %broadcast_in_dim3A_186, %select_n3A_177 : vector<2048x128xi1>, vector<2048x128xi32>
    %slice3A_188 = vector.extract_strided_slice %dot_general3A_18 {offsets = [0, 2176], sizes = [2048, 128], strides = [1, 1]} : vector<2048x4096xf32> to vector<2048x128xf32>
    %add3A_189 = vector.broadcast %broadcast_in_dim3A : vector<2048x1xf32> to vector<2048x128xf32>
    %add3A_190 = arith.addf %add3A_189, %slice3A_188 : vector<2048x128xf32>
    %slice3A_191 = vector.extract_strided_slice %broadcast_in_dim3A_14 {offsets = [0, 2176], sizes = [2048, 128], strides = [1, 1]} : vector<2048x8192xf32> to vector<2048x128xf32>
    %add3A_192 = arith.addf %add3A_190, %slice3A_191 : vector<2048x128xf32>
    %lt3A_193 = arith.cmpf olt, %add3A_192, %select_n3A_184 : vector<2048x128xf32>
    %select_n3A_194 = arith.select %lt3A_193, %add3A_192, %select_n3A_184 : vector<2048x128xi1>, vector<2048x128xf32>
    %jit3A_195 = arith.constant 17 : i32
    %broadcast_in_dim3A_196 = vector.broadcast %jit3A_195 : i32 to vector<2048x128xi32>
    %select_n3A_197 = arith.select %lt3A_193, %broadcast_in_dim3A_196, %select_n3A_187 : vector<2048x128xi1>, vector<2048x128xi32>
    %slice3A_198 = vector.extract_strided_slice %dot_general3A_18 {offsets = [0, 2304], sizes = [2048, 128], strides = [1, 1]} : vector<2048x4096xf32> to vector<2048x128xf32>
    %add3A_199 = vector.broadcast %broadcast_in_dim3A : vector<2048x1xf32> to vector<2048x128xf32>
    %add3A_200 = arith.addf %add3A_199, %slice3A_198 : vector<2048x128xf32>
    %slice3A_201 = vector.extract_strided_slice %broadcast_in_dim3A_14 {offsets = [0, 2304], sizes = [2048, 128], strides = [1, 1]} : vector<2048x8192xf32> to vector<2048x128xf32>
    %add3A_202 = arith.addf %add3A_200, %slice3A_201 : vector<2048x128xf32>
    %lt3A_203 = arith.cmpf olt, %add3A_202, %select_n3A_194 : vector<2048x128xf32>
    %select_n3A_204 = arith.select %lt3A_203, %add3A_202, %select_n3A_194 : vector<2048x128xi1>, vector<2048x128xf32>
    %jit3A_205 = arith.constant 18 : i32
    %broadcast_in_dim3A_206 = vector.broadcast %jit3A_205 : i32 to vector<2048x128xi32>
    %select_n3A_207 = arith.select %lt3A_203, %broadcast_in_dim3A_206, %select_n3A_197 : vector<2048x128xi1>, vector<2048x128xi32>
    %slice3A_208 = vector.extract_strided_slice %dot_general3A_18 {offsets = [0, 2432], sizes = [2048, 128], strides = [1, 1]} : vector<2048x4096xf32> to vector<2048x128xf32>
    %add3A_209 = vector.broadcast %broadcast_in_dim3A : vector<2048x1xf32> to vector<2048x128xf32>
    %add3A_210 = arith.addf %add3A_209, %slice3A_208 : vector<2048x128xf32>
    %slice3A_211 = vector.extract_strided_slice %broadcast_in_dim3A_14 {offsets = [0, 2432], sizes = [2048, 128], strides = [1, 1]} : vector<2048x8192xf32> to vector<2048x128xf32>
    %add3A_212 = arith.addf %add3A_210, %slice3A_211 : vector<2048x128xf32>
    %lt3A_213 = arith.cmpf olt, %add3A_212, %select_n3A_204 : vector<2048x128xf32>
    %select_n3A_214 = arith.select %lt3A_213, %add3A_212, %select_n3A_204 : vector<2048x128xi1>, vector<2048x128xf32>
    %jit3A_215 = arith.constant 19 : i32
    %broadcast_in_dim3A_216 = vector.broadcast %jit3A_215 : i32 to vector<2048x128xi32>
    %select_n3A_217 = arith.select %lt3A_213, %broadcast_in_dim3A_216, %select_n3A_207 : vector<2048x128xi1>, vector<2048x128xi32>
    %slice3A_218 = vector.extract_strided_slice %dot_general3A_18 {offsets = [0, 2560], sizes = [2048, 128], strides = [1, 1]} : vector<2048x4096xf32> to vector<2048x128xf32>
    %add3A_219 = vector.broadcast %broadcast_in_dim3A : vector<2048x1xf32> to vector<2048x128xf32>
    %add3A_220 = arith.addf %add3A_219, %slice3A_218 : vector<2048x128xf32>
    %slice3A_221 = vector.extract_strided_slice %broadcast_in_dim3A_14 {offsets = [0, 2560], sizes = [2048, 128], strides = [1, 1]} : vector<2048x8192xf32> to vector<2048x128xf32>
    %add3A_222 = arith.addf %add3A_220, %slice3A_221 : vector<2048x128xf32>
    %lt3A_223 = arith.cmpf olt, %add3A_222, %select_n3A_214 : vector<2048x128xf32>
    %select_n3A_224 = arith.select %lt3A_223, %add3A_222, %select_n3A_214 : vector<2048x128xi1>, vector<2048x128xf32>
    %jit3A_225 = arith.constant 20 : i32
    %broadcast_in_dim3A_226 = vector.broadcast %jit3A_225 : i32 to vector<2048x128xi32>
    %select_n3A_227 = arith.select %lt3A_223, %broadcast_in_dim3A_226, %select_n3A_217 : vector<2048x128xi1>, vector<2048x128xi32>
    %slice3A_228 = vector.extract_strided_slice %dot_general3A_18 {offsets = [0, 2688], sizes = [2048, 128], strides = [1, 1]} : vector<2048x4096xf32> to vector<2048x128xf32>
    %add3A_229 = vector.broadcast %broadcast_in_dim3A : vector<2048x1xf32> to vector<2048x128xf32>
    %add3A_230 = arith.addf %add3A_229, %slice3A_228 : vector<2048x128xf32>
    %slice3A_231 = vector.extract_strided_slice %broadcast_in_dim3A_14 {offsets = [0, 2688], sizes = [2048, 128], strides = [1, 1]} : vector<2048x8192xf32> to vector<2048x128xf32>
    %add3A_232 = arith.addf %add3A_230, %slice3A_231 : vector<2048x128xf32>
    %lt3A_233 = arith.cmpf olt, %add3A_232, %select_n3A_224 : vector<2048x128xf32>
    %select_n3A_234 = arith.select %lt3A_233, %add3A_232, %select_n3A_224 : vector<2048x128xi1>, vector<2048x128xf32>
    %jit3A_235 = arith.constant 21 : i32
    %broadcast_in_dim3A_236 = vector.broadcast %jit3A_235 : i32 to vector<2048x128xi32>
    %select_n3A_237 = arith.select %lt3A_233, %broadcast_in_dim3A_236, %select_n3A_227 : vector<2048x128xi1>, vector<2048x128xi32>
    %slice3A_238 = vector.extract_strided_slice %dot_general3A_18 {offsets = [0, 2816], sizes = [2048, 128], strides = [1, 1]} : vector<2048x4096xf32> to vector<2048x128xf32>
    %add3A_239 = vector.broadcast %broadcast_in_dim3A : vector<2048x1xf32> to vector<2048x128xf32>
    %add3A_240 = arith.addf %add3A_239, %slice3A_238 : vector<2048x128xf32>
    %slice3A_241 = vector.extract_strided_slice %broadcast_in_dim3A_14 {offsets = [0, 2816], sizes = [2048, 128], strides = [1, 1]} : vector<2048x8192xf32> to vector<2048x128xf32>
    %add3A_242 = arith.addf %add3A_240, %slice3A_241 : vector<2048x128xf32>
    %lt3A_243 = arith.cmpf olt, %add3A_242, %select_n3A_234 : vector<2048x128xf32>
    %select_n3A_244 = arith.select %lt3A_243, %add3A_242, %select_n3A_234 : vector<2048x128xi1>, vector<2048x128xf32>
    %jit3A_245 = arith.constant 22 : i32
    %broadcast_in_dim3A_246 = vector.broadcast %jit3A_245 : i32 to vector<2048x128xi32>
    %select_n3A_247 = arith.select %lt3A_243, %broadcast_in_dim3A_246, %select_n3A_237 : vector<2048x128xi1>, vector<2048x128xi32>
    %slice3A_248 = vector.extract_strided_slice %dot_general3A_18 {offsets = [0, 2944], sizes = [2048, 128], strides = [1, 1]} : vector<2048x4096xf32> to vector<2048x128xf32>
    %add3A_249 = vector.broadcast %broadcast_in_dim3A : vector<2048x1xf32> to vector<2048x128xf32>
    %add3A_250 = arith.addf %add3A_249, %slice3A_248 : vector<2048x128xf32>
    %slice3A_251 = vector.extract_strided_slice %broadcast_in_dim3A_14 {offsets = [0, 2944], sizes = [2048, 128], strides = [1, 1]} : vector<2048x8192xf32> to vector<2048x128xf32>
    %add3A_252 = arith.addf %add3A_250, %slice3A_251 : vector<2048x128xf32>
    %lt3A_253 = arith.cmpf olt, %add3A_252, %select_n3A_244 : vector<2048x128xf32>
    %select_n3A_254 = arith.select %lt3A_253, %add3A_252, %select_n3A_244 : vector<2048x128xi1>, vector<2048x128xf32>
    %jit3A_255 = arith.constant 23 : i32
    %broadcast_in_dim3A_256 = vector.broadcast %jit3A_255 : i32 to vector<2048x128xi32>
    %select_n3A_257 = arith.select %lt3A_253, %broadcast_in_dim3A_256, %select_n3A_247 : vector<2048x128xi1>, vector<2048x128xi32>
    %slice3A_258 = vector.extract_strided_slice %dot_general3A_18 {offsets = [0, 3072], sizes = [2048, 128], strides = [1, 1]} : vector<2048x4096xf32> to vector<2048x128xf32>
    %add3A_259 = vector.broadcast %broadcast_in_dim3A : vector<2048x1xf32> to vector<2048x128xf32>
    %add3A_260 = arith.addf %add3A_259, %slice3A_258 : vector<2048x128xf32>
    %slice3A_261 = vector.extract_strided_slice %broadcast_in_dim3A_14 {offsets = [0, 3072], sizes = [2048, 128], strides = [1, 1]} : vector<2048x8192xf32> to vector<2048x128xf32>
    %add3A_262 = arith.addf %add3A_260, %slice3A_261 : vector<2048x128xf32>
    %lt3A_263 = arith.cmpf olt, %add3A_262, %select_n3A_254 : vector<2048x128xf32>
    %select_n3A_264 = arith.select %lt3A_263, %add3A_262, %select_n3A_254 : vector<2048x128xi1>, vector<2048x128xf32>
    %jit3A_265 = arith.constant 24 : i32
    %broadcast_in_dim3A_266 = vector.broadcast %jit3A_265 : i32 to vector<2048x128xi32>
    %select_n3A_267 = arith.select %lt3A_263, %broadcast_in_dim3A_266, %select_n3A_257 : vector<2048x128xi1>, vector<2048x128xi32>
    %slice3A_268 = vector.extract_strided_slice %dot_general3A_18 {offsets = [0, 3200], sizes = [2048, 128], strides = [1, 1]} : vector<2048x4096xf32> to vector<2048x128xf32>
    %add3A_269 = vector.broadcast %broadcast_in_dim3A : vector<2048x1xf32> to vector<2048x128xf32>
    %add3A_270 = arith.addf %add3A_269, %slice3A_268 : vector<2048x128xf32>
    %slice3A_271 = vector.extract_strided_slice %broadcast_in_dim3A_14 {offsets = [0, 3200], sizes = [2048, 128], strides = [1, 1]} : vector<2048x8192xf32> to vector<2048x128xf32>
    %add3A_272 = arith.addf %add3A_270, %slice3A_271 : vector<2048x128xf32>
    %lt3A_273 = arith.cmpf olt, %add3A_272, %select_n3A_264 : vector<2048x128xf32>
    %select_n3A_274 = arith.select %lt3A_273, %add3A_272, %select_n3A_264 : vector<2048x128xi1>, vector<2048x128xf32>
    %jit3A_275 = arith.constant 25 : i32
    %broadcast_in_dim3A_276 = vector.broadcast %jit3A_275 : i32 to vector<2048x128xi32>
    %select_n3A_277 = arith.select %lt3A_273, %broadcast_in_dim3A_276, %select_n3A_267 : vector<2048x128xi1>, vector<2048x128xi32>
    %slice3A_278 = vector.extract_strided_slice %dot_general3A_18 {offsets = [0, 3328], sizes = [2048, 128], strides = [1, 1]} : vector<2048x4096xf32> to vector<2048x128xf32>
    %add3A_279 = vector.broadcast %broadcast_in_dim3A : vector<2048x1xf32> to vector<2048x128xf32>
    %add3A_280 = arith.addf %add3A_279, %slice3A_278 : vector<2048x128xf32>
    %slice3A_281 = vector.extract_strided_slice %broadcast_in_dim3A_14 {offsets = [0, 3328], sizes = [2048, 128], strides = [1, 1]} : vector<2048x8192xf32> to vector<2048x128xf32>
    %add3A_282 = arith.addf %add3A_280, %slice3A_281 : vector<2048x128xf32>
    %lt3A_283 = arith.cmpf olt, %add3A_282, %select_n3A_274 : vector<2048x128xf32>
    %select_n3A_284 = arith.select %lt3A_283, %add3A_282, %select_n3A_274 : vector<2048x128xi1>, vector<2048x128xf32>
    %jit3A_285 = arith.constant 26 : i32
    %broadcast_in_dim3A_286 = vector.broadcast %jit3A_285 : i32 to vector<2048x128xi32>
    %select_n3A_287 = arith.select %lt3A_283, %broadcast_in_dim3A_286, %select_n3A_277 : vector<2048x128xi1>, vector<2048x128xi32>
    %slice3A_288 = vector.extract_strided_slice %dot_general3A_18 {offsets = [0, 3456], sizes = [2048, 128], strides = [1, 1]} : vector<2048x4096xf32> to vector<2048x128xf32>
    %add3A_289 = vector.broadcast %broadcast_in_dim3A : vector<2048x1xf32> to vector<2048x128xf32>
    %add3A_290 = arith.addf %add3A_289, %slice3A_288 : vector<2048x128xf32>
    %slice3A_291 = vector.extract_strided_slice %broadcast_in_dim3A_14 {offsets = [0, 3456], sizes = [2048, 128], strides = [1, 1]} : vector<2048x8192xf32> to vector<2048x128xf32>
    %add3A_292 = arith.addf %add3A_290, %slice3A_291 : vector<2048x128xf32>
    %lt3A_293 = arith.cmpf olt, %add3A_292, %select_n3A_284 : vector<2048x128xf32>
    %select_n3A_294 = arith.select %lt3A_293, %add3A_292, %select_n3A_284 : vector<2048x128xi1>, vector<2048x128xf32>
    %jit3A_295 = arith.constant 27 : i32
    %broadcast_in_dim3A_296 = vector.broadcast %jit3A_295 : i32 to vector<2048x128xi32>
    %select_n3A_297 = arith.select %lt3A_293, %broadcast_in_dim3A_296, %select_n3A_287 : vector<2048x128xi1>, vector<2048x128xi32>
    %slice3A_298 = vector.extract_strided_slice %dot_general3A_18 {offsets = [0, 3584], sizes = [2048, 128], strides = [1, 1]} : vector<2048x4096xf32> to vector<2048x128xf32>
    %add3A_299 = vector.broadcast %broadcast_in_dim3A : vector<2048x1xf32> to vector<2048x128xf32>
    %add3A_300 = arith.addf %add3A_299, %slice3A_298 : vector<2048x128xf32>
    %slice3A_301 = vector.extract_strided_slice %broadcast_in_dim3A_14 {offsets = [0, 3584], sizes = [2048, 128], strides = [1, 1]} : vector<2048x8192xf32> to vector<2048x128xf32>
    %add3A_302 = arith.addf %add3A_300, %slice3A_301 : vector<2048x128xf32>
    %lt3A_303 = arith.cmpf olt, %add3A_302, %select_n3A_294 : vector<2048x128xf32>
    %select_n3A_304 = arith.select %lt3A_303, %add3A_302, %select_n3A_294 : vector<2048x128xi1>, vector<2048x128xf32>
    %jit3A_305 = arith.constant 28 : i32
    %broadcast_in_dim3A_306 = vector.broadcast %jit3A_305 : i32 to vector<2048x128xi32>
    %select_n3A_307 = arith.select %lt3A_303, %broadcast_in_dim3A_306, %select_n3A_297 : vector<2048x128xi1>, vector<2048x128xi32>
    %slice3A_308 = vector.extract_strided_slice %dot_general3A_18 {offsets = [0, 3712], sizes = [2048, 128], strides = [1, 1]} : vector<2048x4096xf32> to vector<2048x128xf32>
    %add3A_309 = vector.broadcast %broadcast_in_dim3A : vector<2048x1xf32> to vector<2048x128xf32>
    %add3A_310 = arith.addf %add3A_309, %slice3A_308 : vector<2048x128xf32>
    %slice3A_311 = vector.extract_strided_slice %broadcast_in_dim3A_14 {offsets = [0, 3712], sizes = [2048, 128], strides = [1, 1]} : vector<2048x8192xf32> to vector<2048x128xf32>
    %add3A_312 = arith.addf %add3A_310, %slice3A_311 : vector<2048x128xf32>
    %lt3A_313 = arith.cmpf olt, %add3A_312, %select_n3A_304 : vector<2048x128xf32>
    %select_n3A_314 = arith.select %lt3A_313, %add3A_312, %select_n3A_304 : vector<2048x128xi1>, vector<2048x128xf32>
    %jit3A_315 = arith.constant 29 : i32
    %broadcast_in_dim3A_316 = vector.broadcast %jit3A_315 : i32 to vector<2048x128xi32>
    %select_n3A_317 = arith.select %lt3A_313, %broadcast_in_dim3A_316, %select_n3A_307 : vector<2048x128xi1>, vector<2048x128xi32>
    %slice3A_318 = vector.extract_strided_slice %dot_general3A_18 {offsets = [0, 3840], sizes = [2048, 128], strides = [1, 1]} : vector<2048x4096xf32> to vector<2048x128xf32>
    %add3A_319 = vector.broadcast %broadcast_in_dim3A : vector<2048x1xf32> to vector<2048x128xf32>
    %add3A_320 = arith.addf %add3A_319, %slice3A_318 : vector<2048x128xf32>
    %slice3A_321 = vector.extract_strided_slice %broadcast_in_dim3A_14 {offsets = [0, 3840], sizes = [2048, 128], strides = [1, 1]} : vector<2048x8192xf32> to vector<2048x128xf32>
    %add3A_322 = arith.addf %add3A_320, %slice3A_321 : vector<2048x128xf32>
    %lt3A_323 = arith.cmpf olt, %add3A_322, %select_n3A_314 : vector<2048x128xf32>
    %select_n3A_324 = arith.select %lt3A_323, %add3A_322, %select_n3A_314 : vector<2048x128xi1>, vector<2048x128xf32>
    %jit3A_325 = arith.constant 30 : i32
    %broadcast_in_dim3A_326 = vector.broadcast %jit3A_325 : i32 to vector<2048x128xi32>
    %select_n3A_327 = arith.select %lt3A_323, %broadcast_in_dim3A_326, %select_n3A_317 : vector<2048x128xi1>, vector<2048x128xi32>
    %slice3A_328 = vector.extract_strided_slice %dot_general3A_18 {offsets = [0, 3968], sizes = [2048, 128], strides = [1, 1]} : vector<2048x4096xf32> to vector<2048x128xf32>
    %add3A_329 = vector.broadcast %broadcast_in_dim3A : vector<2048x1xf32> to vector<2048x128xf32>
    %add3A_330 = arith.addf %add3A_329, %slice3A_328 : vector<2048x128xf32>
    %slice3A_331 = vector.extract_strided_slice %broadcast_in_dim3A_14 {offsets = [0, 3968], sizes = [2048, 128], strides = [1, 1]} : vector<2048x8192xf32> to vector<2048x128xf32>
    %add3A_332 = arith.addf %add3A_330, %slice3A_331 : vector<2048x128xf32>
    %lt3A_333 = arith.cmpf olt, %add3A_332, %select_n3A_324 : vector<2048x128xf32>
    %select_n3A_334 = arith.select %lt3A_333, %add3A_332, %select_n3A_324 : vector<2048x128xi1>, vector<2048x128xf32>
    %jit3A_335 = arith.constant 31 : i32
    %broadcast_in_dim3A_336 = vector.broadcast %jit3A_335 : i32 to vector<2048x128xi32>
    %select_n3A_337 = arith.select %lt3A_333, %broadcast_in_dim3A_336, %select_n3A_327 : vector<2048x128xi1>, vector<2048x128xi32>
    %reduce_min3A = arith.constant dense<0x7F800000> : vector<2048xf32>
    %reduce_min3A_338 = vector.multi_reduction <minimumf>, %select_n3A_334, %reduce_min3A [1] : vector<2048x128xf32> to vector<2048xf32>
    %mul3A_339 = arith.constant 128 : i32
    %mul3A_340 = vector.broadcast %mul3A_339 : i32 to vector<2048x128xi32>
    %mul3A_341 = arith.muli %select_n3A_337, %mul3A_340 : vector<2048x128xi32>
    %add3A_342 = arith.addi %mul3A_341, %iota3A : vector<2048x128xi32>
    %add3A_343 = arith.constant 0 : i32
    %add3A_344 = vector.broadcast %add3A_343 : i32 to vector<2048x128xi32>
    %add3A_345 = arith.addi %add3A_342, %add3A_344 : vector<2048x128xi32>
    %broadcast_in_dim3A_346 = vector.shape_cast %reduce_min3A_338 : vector<2048xf32> to vector<2048x1xf32>
    %eq3A = vector.broadcast %broadcast_in_dim3A_346 : vector<2048x1xf32> to vector<2048x128xf32>
    %eq3A_347 = arith.cmpf oeq, %select_n3A_334, %eq3A : vector<2048x128xf32>
    %jit3A_348 = arith.constant 8192 : i32
    %broadcast_in_dim3A_349 = vector.broadcast %jit3A_348 : i32 to vector<2048x128xi32>
    %select_n3A_350 = arith.select %eq3A_347, %add3A_345, %broadcast_in_dim3A_349 : vector<2048x128xi1>, vector<2048x128xi32>
    %reduce_min3A_351 = arith.constant dense<2147483647> : vector<2048xi32>
    %reduce_min3A_352 = vector.multi_reduction <minsi>, %select_n3A_350, %reduce_min3A_351 [1] : vector<2048x128xi32> to vector<2048xi32>
    %get3A_353 = arith.constant 4096 : index
    %get3A_354 = arith.constant 0 : index
    %get3A_355 = vector.load %arg3[%get3A_353, %get3A_354] : memref<8192x32xbf16, #tpu.memory_space<vmem>>, vector<4096x32xbf16>
    %dot_general3A_356 = arith.constant dense<0.000000e+00> : vector<2048x4096xf32>
    %dot_general3A_357 = tpu.matmul %convert_element_type3A, %get3A_355, %dot_general3A_356 {dimension_numbers = #tpu.dot_dimension_numbers<[1], [1], [0], [0], [0, 0, 1, 0], [], []>, transpose_lhs_hint = false} : vector<2048x32xbf16>, vector<4096x32xbf16>, vector<2048x4096xf32> -> vector<2048x4096xf32>
    %broadcast_in_dim3A_358 = arith.constant 0x7F800000 : f32
    %broadcast_in_dim3A_359 = vector.broadcast %broadcast_in_dim3A_358 : f32 to vector<2048x128xf32>
    %broadcast_in_dim3A_360 = arith.constant 0 : i32
    %broadcast_in_dim3A_361 = vector.broadcast %broadcast_in_dim3A_360 : i32 to vector<2048x128xi32>
    %slice3A_362 = vector.extract_strided_slice %dot_general3A_357 {offsets = [0, 0], sizes = [2048, 128], strides = [1, 1]} : vector<2048x4096xf32> to vector<2048x128xf32>
    %add3A_363 = vector.broadcast %broadcast_in_dim3A : vector<2048x1xf32> to vector<2048x128xf32>
    %add3A_364 = arith.addf %add3A_363, %slice3A_362 : vector<2048x128xf32>
    %slice3A_365 = vector.extract_strided_slice %broadcast_in_dim3A_14 {offsets = [0, 4096], sizes = [2048, 128], strides = [1, 1]} : vector<2048x8192xf32> to vector<2048x128xf32>
    %add3A_366 = arith.addf %add3A_364, %slice3A_365 : vector<2048x128xf32>
    %lt3A_367 = arith.cmpf olt, %add3A_366, %broadcast_in_dim3A_359 : vector<2048x128xf32>
    %select_n3A_368 = arith.select %lt3A_367, %add3A_366, %broadcast_in_dim3A_359 : vector<2048x128xi1>, vector<2048x128xf32>
    %jit3A_369 = arith.constant 0 : i32
    %broadcast_in_dim3A_370 = vector.broadcast %jit3A_369 : i32 to vector<2048x128xi32>
    %select_n3A_371 = arith.select %lt3A_367, %broadcast_in_dim3A_370, %broadcast_in_dim3A_361 : vector<2048x128xi1>, vector<2048x128xi32>
    %slice3A_372 = vector.extract_strided_slice %dot_general3A_357 {offsets = [0, 128], sizes = [2048, 128], strides = [1, 1]} : vector<2048x4096xf32> to vector<2048x128xf32>
    %add3A_373 = vector.broadcast %broadcast_in_dim3A : vector<2048x1xf32> to vector<2048x128xf32>
    %add3A_374 = arith.addf %add3A_373, %slice3A_372 : vector<2048x128xf32>
    %slice3A_375 = vector.extract_strided_slice %broadcast_in_dim3A_14 {offsets = [0, 4224], sizes = [2048, 128], strides = [1, 1]} : vector<2048x8192xf32> to vector<2048x128xf32>
    %add3A_376 = arith.addf %add3A_374, %slice3A_375 : vector<2048x128xf32>
    %lt3A_377 = arith.cmpf olt, %add3A_376, %select_n3A_368 : vector<2048x128xf32>
    %select_n3A_378 = arith.select %lt3A_377, %add3A_376, %select_n3A_368 : vector<2048x128xi1>, vector<2048x128xf32>
    %jit3A_379 = arith.constant 1 : i32
    %broadcast_in_dim3A_380 = vector.broadcast %jit3A_379 : i32 to vector<2048x128xi32>
    %select_n3A_381 = arith.select %lt3A_377, %broadcast_in_dim3A_380, %select_n3A_371 : vector<2048x128xi1>, vector<2048x128xi32>
    %slice3A_382 = vector.extract_strided_slice %dot_general3A_357 {offsets = [0, 256], sizes = [2048, 128], strides = [1, 1]} : vector<2048x4096xf32> to vector<2048x128xf32>
    %add3A_383 = vector.broadcast %broadcast_in_dim3A : vector<2048x1xf32> to vector<2048x128xf32>
    %add3A_384 = arith.addf %add3A_383, %slice3A_382 : vector<2048x128xf32>
    %slice3A_385 = vector.extract_strided_slice %broadcast_in_dim3A_14 {offsets = [0, 4352], sizes = [2048, 128], strides = [1, 1]} : vector<2048x8192xf32> to vector<2048x128xf32>
    %add3A_386 = arith.addf %add3A_384, %slice3A_385 : vector<2048x128xf32>
    %lt3A_387 = arith.cmpf olt, %add3A_386, %select_n3A_378 : vector<2048x128xf32>
    %select_n3A_388 = arith.select %lt3A_387, %add3A_386, %select_n3A_378 : vector<2048x128xi1>, vector<2048x128xf32>
    %jit3A_389 = arith.constant 2 : i32
    %broadcast_in_dim3A_390 = vector.broadcast %jit3A_389 : i32 to vector<2048x128xi32>
    %select_n3A_391 = arith.select %lt3A_387, %broadcast_in_dim3A_390, %select_n3A_381 : vector<2048x128xi1>, vector<2048x128xi32>
    %slice3A_392 = vector.extract_strided_slice %dot_general3A_357 {offsets = [0, 384], sizes = [2048, 128], strides = [1, 1]} : vector<2048x4096xf32> to vector<2048x128xf32>
    %add3A_393 = vector.broadcast %broadcast_in_dim3A : vector<2048x1xf32> to vector<2048x128xf32>
    %add3A_394 = arith.addf %add3A_393, %slice3A_392 : vector<2048x128xf32>
    %slice3A_395 = vector.extract_strided_slice %broadcast_in_dim3A_14 {offsets = [0, 4480], sizes = [2048, 128], strides = [1, 1]} : vector<2048x8192xf32> to vector<2048x128xf32>
    %add3A_396 = arith.addf %add3A_394, %slice3A_395 : vector<2048x128xf32>
    %lt3A_397 = arith.cmpf olt, %add3A_396, %select_n3A_388 : vector<2048x128xf32>
    %select_n3A_398 = arith.select %lt3A_397, %add3A_396, %select_n3A_388 : vector<2048x128xi1>, vector<2048x128xf32>
    %jit3A_399 = arith.constant 3 : i32
    %broadcast_in_dim3A_400 = vector.broadcast %jit3A_399 : i32 to vector<2048x128xi32>
    %select_n3A_401 = arith.select %lt3A_397, %broadcast_in_dim3A_400, %select_n3A_391 : vector<2048x128xi1>, vector<2048x128xi32>
    %slice3A_402 = vector.extract_strided_slice %dot_general3A_357 {offsets = [0, 512], sizes = [2048, 128], strides = [1, 1]} : vector<2048x4096xf32> to vector<2048x128xf32>
    %add3A_403 = vector.broadcast %broadcast_in_dim3A : vector<2048x1xf32> to vector<2048x128xf32>
    %add3A_404 = arith.addf %add3A_403, %slice3A_402 : vector<2048x128xf32>
    %slice3A_405 = vector.extract_strided_slice %broadcast_in_dim3A_14 {offsets = [0, 4608], sizes = [2048, 128], strides = [1, 1]} : vector<2048x8192xf32> to vector<2048x128xf32>
    %add3A_406 = arith.addf %add3A_404, %slice3A_405 : vector<2048x128xf32>
    %lt3A_407 = arith.cmpf olt, %add3A_406, %select_n3A_398 : vector<2048x128xf32>
    %select_n3A_408 = arith.select %lt3A_407, %add3A_406, %select_n3A_398 : vector<2048x128xi1>, vector<2048x128xf32>
    %jit3A_409 = arith.constant 4 : i32
    %broadcast_in_dim3A_410 = vector.broadcast %jit3A_409 : i32 to vector<2048x128xi32>
    %select_n3A_411 = arith.select %lt3A_407, %broadcast_in_dim3A_410, %select_n3A_401 : vector<2048x128xi1>, vector<2048x128xi32>
    %slice3A_412 = vector.extract_strided_slice %dot_general3A_357 {offsets = [0, 640], sizes = [2048, 128], strides = [1, 1]} : vector<2048x4096xf32> to vector<2048x128xf32>
    %add3A_413 = vector.broadcast %broadcast_in_dim3A : vector<2048x1xf32> to vector<2048x128xf32>
    %add3A_414 = arith.addf %add3A_413, %slice3A_412 : vector<2048x128xf32>
    %slice3A_415 = vector.extract_strided_slice %broadcast_in_dim3A_14 {offsets = [0, 4736], sizes = [2048, 128], strides = [1, 1]} : vector<2048x8192xf32> to vector<2048x128xf32>
    %add3A_416 = arith.addf %add3A_414, %slice3A_415 : vector<2048x128xf32>
    %lt3A_417 = arith.cmpf olt, %add3A_416, %select_n3A_408 : vector<2048x128xf32>
    %select_n3A_418 = arith.select %lt3A_417, %add3A_416, %select_n3A_408 : vector<2048x128xi1>, vector<2048x128xf32>
    %jit3A_419 = arith.constant 5 : i32
    %broadcast_in_dim3A_420 = vector.broadcast %jit3A_419 : i32 to vector<2048x128xi32>
    %select_n3A_421 = arith.select %lt3A_417, %broadcast_in_dim3A_420, %select_n3A_411 : vector<2048x128xi1>, vector<2048x128xi32>
    %slice3A_422 = vector.extract_strided_slice %dot_general3A_357 {offsets = [0, 768], sizes = [2048, 128], strides = [1, 1]} : vector<2048x4096xf32> to vector<2048x128xf32>
    %add3A_423 = vector.broadcast %broadcast_in_dim3A : vector<2048x1xf32> to vector<2048x128xf32>
    %add3A_424 = arith.addf %add3A_423, %slice3A_422 : vector<2048x128xf32>
    %slice3A_425 = vector.extract_strided_slice %broadcast_in_dim3A_14 {offsets = [0, 4864], sizes = [2048, 128], strides = [1, 1]} : vector<2048x8192xf32> to vector<2048x128xf32>
    %add3A_426 = arith.addf %add3A_424, %slice3A_425 : vector<2048x128xf32>
    %lt3A_427 = arith.cmpf olt, %add3A_426, %select_n3A_418 : vector<2048x128xf32>
    %select_n3A_428 = arith.select %lt3A_427, %add3A_426, %select_n3A_418 : vector<2048x128xi1>, vector<2048x128xf32>
    %jit3A_429 = arith.constant 6 : i32
    %broadcast_in_dim3A_430 = vector.broadcast %jit3A_429 : i32 to vector<2048x128xi32>
    %select_n3A_431 = arith.select %lt3A_427, %broadcast_in_dim3A_430, %select_n3A_421 : vector<2048x128xi1>, vector<2048x128xi32>
    %slice3A_432 = vector.extract_strided_slice %dot_general3A_357 {offsets = [0, 896], sizes = [2048, 128], strides = [1, 1]} : vector<2048x4096xf32> to vector<2048x128xf32>
    %add3A_433 = vector.broadcast %broadcast_in_dim3A : vector<2048x1xf32> to vector<2048x128xf32>
    %add3A_434 = arith.addf %add3A_433, %slice3A_432 : vector<2048x128xf32>
    %slice3A_435 = vector.extract_strided_slice %broadcast_in_dim3A_14 {offsets = [0, 4992], sizes = [2048, 128], strides = [1, 1]} : vector<2048x8192xf32> to vector<2048x128xf32>
    %add3A_436 = arith.addf %add3A_434, %slice3A_435 : vector<2048x128xf32>
    %lt3A_437 = arith.cmpf olt, %add3A_436, %select_n3A_428 : vector<2048x128xf32>
    %select_n3A_438 = arith.select %lt3A_437, %add3A_436, %select_n3A_428 : vector<2048x128xi1>, vector<2048x128xf32>
    %jit3A_439 = arith.constant 7 : i32
    %broadcast_in_dim3A_440 = vector.broadcast %jit3A_439 : i32 to vector<2048x128xi32>
    %select_n3A_441 = arith.select %lt3A_437, %broadcast_in_dim3A_440, %select_n3A_431 : vector<2048x128xi1>, vector<2048x128xi32>
    %slice3A_442 = vector.extract_strided_slice %dot_general3A_357 {offsets = [0, 1024], sizes = [2048, 128], strides = [1, 1]} : vector<2048x4096xf32> to vector<2048x128xf32>
    %add3A_443 = vector.broadcast %broadcast_in_dim3A : vector<2048x1xf32> to vector<2048x128xf32>
    %add3A_444 = arith.addf %add3A_443, %slice3A_442 : vector<2048x128xf32>
    %slice3A_445 = vector.extract_strided_slice %broadcast_in_dim3A_14 {offsets = [0, 5120], sizes = [2048, 128], strides = [1, 1]} : vector<2048x8192xf32> to vector<2048x128xf32>
    %add3A_446 = arith.addf %add3A_444, %slice3A_445 : vector<2048x128xf32>
    %lt3A_447 = arith.cmpf olt, %add3A_446, %select_n3A_438 : vector<2048x128xf32>
    %select_n3A_448 = arith.select %lt3A_447, %add3A_446, %select_n3A_438 : vector<2048x128xi1>, vector<2048x128xf32>
    %jit3A_449 = arith.constant 8 : i32
    %broadcast_in_dim3A_450 = vector.broadcast %jit3A_449 : i32 to vector<2048x128xi32>
    %select_n3A_451 = arith.select %lt3A_447, %broadcast_in_dim3A_450, %select_n3A_441 : vector<2048x128xi1>, vector<2048x128xi32>
    %slice3A_452 = vector.extract_strided_slice %dot_general3A_357 {offsets = [0, 1152], sizes = [2048, 128], strides = [1, 1]} : vector<2048x4096xf32> to vector<2048x128xf32>
    %add3A_453 = vector.broadcast %broadcast_in_dim3A : vector<2048x1xf32> to vector<2048x128xf32>
    %add3A_454 = arith.addf %add3A_453, %slice3A_452 : vector<2048x128xf32>
    %slice3A_455 = vector.extract_strided_slice %broadcast_in_dim3A_14 {offsets = [0, 5248], sizes = [2048, 128], strides = [1, 1]} : vector<2048x8192xf32> to vector<2048x128xf32>
    %add3A_456 = arith.addf %add3A_454, %slice3A_455 : vector<2048x128xf32>
    %lt3A_457 = arith.cmpf olt, %add3A_456, %select_n3A_448 : vector<2048x128xf32>
    %select_n3A_458 = arith.select %lt3A_457, %add3A_456, %select_n3A_448 : vector<2048x128xi1>, vector<2048x128xf32>
    %jit3A_459 = arith.constant 9 : i32
    %broadcast_in_dim3A_460 = vector.broadcast %jit3A_459 : i32 to vector<2048x128xi32>
    %select_n3A_461 = arith.select %lt3A_457, %broadcast_in_dim3A_460, %select_n3A_451 : vector<2048x128xi1>, vector<2048x128xi32>
    %slice3A_462 = vector.extract_strided_slice %dot_general3A_357 {offsets = [0, 1280], sizes = [2048, 128], strides = [1, 1]} : vector<2048x4096xf32> to vector<2048x128xf32>
    %add3A_463 = vector.broadcast %broadcast_in_dim3A : vector<2048x1xf32> to vector<2048x128xf32>
    %add3A_464 = arith.addf %add3A_463, %slice3A_462 : vector<2048x128xf32>
    %slice3A_465 = vector.extract_strided_slice %broadcast_in_dim3A_14 {offsets = [0, 5376], sizes = [2048, 128], strides = [1, 1]} : vector<2048x8192xf32> to vector<2048x128xf32>
    %add3A_466 = arith.addf %add3A_464, %slice3A_465 : vector<2048x128xf32>
    %lt3A_467 = arith.cmpf olt, %add3A_466, %select_n3A_458 : vector<2048x128xf32>
    %select_n3A_468 = arith.select %lt3A_467, %add3A_466, %select_n3A_458 : vector<2048x128xi1>, vector<2048x128xf32>
    %jit3A_469 = arith.constant 10 : i32
    %broadcast_in_dim3A_470 = vector.broadcast %jit3A_469 : i32 to vector<2048x128xi32>
    %select_n3A_471 = arith.select %lt3A_467, %broadcast_in_dim3A_470, %select_n3A_461 : vector<2048x128xi1>, vector<2048x128xi32>
    %slice3A_472 = vector.extract_strided_slice %dot_general3A_357 {offsets = [0, 1408], sizes = [2048, 128], strides = [1, 1]} : vector<2048x4096xf32> to vector<2048x128xf32>
    %add3A_473 = vector.broadcast %broadcast_in_dim3A : vector<2048x1xf32> to vector<2048x128xf32>
    %add3A_474 = arith.addf %add3A_473, %slice3A_472 : vector<2048x128xf32>
    %slice3A_475 = vector.extract_strided_slice %broadcast_in_dim3A_14 {offsets = [0, 5504], sizes = [2048, 128], strides = [1, 1]} : vector<2048x8192xf32> to vector<2048x128xf32>
    %add3A_476 = arith.addf %add3A_474, %slice3A_475 : vector<2048x128xf32>
    %lt3A_477 = arith.cmpf olt, %add3A_476, %select_n3A_468 : vector<2048x128xf32>
    %select_n3A_478 = arith.select %lt3A_477, %add3A_476, %select_n3A_468 : vector<2048x128xi1>, vector<2048x128xf32>
    %jit3A_479 = arith.constant 11 : i32
    %broadcast_in_dim3A_480 = vector.broadcast %jit3A_479 : i32 to vector<2048x128xi32>
    %select_n3A_481 = arith.select %lt3A_477, %broadcast_in_dim3A_480, %select_n3A_471 : vector<2048x128xi1>, vector<2048x128xi32>
    %slice3A_482 = vector.extract_strided_slice %dot_general3A_357 {offsets = [0, 1536], sizes = [2048, 128], strides = [1, 1]} : vector<2048x4096xf32> to vector<2048x128xf32>
    %add3A_483 = vector.broadcast %broadcast_in_dim3A : vector<2048x1xf32> to vector<2048x128xf32>
    %add3A_484 = arith.addf %add3A_483, %slice3A_482 : vector<2048x128xf32>
    %slice3A_485 = vector.extract_strided_slice %broadcast_in_dim3A_14 {offsets = [0, 5632], sizes = [2048, 128], strides = [1, 1]} : vector<2048x8192xf32> to vector<2048x128xf32>
    %add3A_486 = arith.addf %add3A_484, %slice3A_485 : vector<2048x128xf32>
    %lt3A_487 = arith.cmpf olt, %add3A_486, %select_n3A_478 : vector<2048x128xf32>
    %select_n3A_488 = arith.select %lt3A_487, %add3A_486, %select_n3A_478 : vector<2048x128xi1>, vector<2048x128xf32>
    %jit3A_489 = arith.constant 12 : i32
    %broadcast_in_dim3A_490 = vector.broadcast %jit3A_489 : i32 to vector<2048x128xi32>
    %select_n3A_491 = arith.select %lt3A_487, %broadcast_in_dim3A_490, %select_n3A_481 : vector<2048x128xi1>, vector<2048x128xi32>
    %slice3A_492 = vector.extract_strided_slice %dot_general3A_357 {offsets = [0, 1664], sizes = [2048, 128], strides = [1, 1]} : vector<2048x4096xf32> to vector<2048x128xf32>
    %add3A_493 = vector.broadcast %broadcast_in_dim3A : vector<2048x1xf32> to vector<2048x128xf32>
    %add3A_494 = arith.addf %add3A_493, %slice3A_492 : vector<2048x128xf32>
    %slice3A_495 = vector.extract_strided_slice %broadcast_in_dim3A_14 {offsets = [0, 5760], sizes = [2048, 128], strides = [1, 1]} : vector<2048x8192xf32> to vector<2048x128xf32>
    %add3A_496 = arith.addf %add3A_494, %slice3A_495 : vector<2048x128xf32>
    %lt3A_497 = arith.cmpf olt, %add3A_496, %select_n3A_488 : vector<2048x128xf32>
    %select_n3A_498 = arith.select %lt3A_497, %add3A_496, %select_n3A_488 : vector<2048x128xi1>, vector<2048x128xf32>
    %jit3A_499 = arith.constant 13 : i32
    %broadcast_in_dim3A_500 = vector.broadcast %jit3A_499 : i32 to vector<2048x128xi32>
    %select_n3A_501 = arith.select %lt3A_497, %broadcast_in_dim3A_500, %select_n3A_491 : vector<2048x128xi1>, vector<2048x128xi32>
    %slice3A_502 = vector.extract_strided_slice %dot_general3A_357 {offsets = [0, 1792], sizes = [2048, 128], strides = [1, 1]} : vector<2048x4096xf32> to vector<2048x128xf32>
    %add3A_503 = vector.broadcast %broadcast_in_dim3A : vector<2048x1xf32> to vector<2048x128xf32>
    %add3A_504 = arith.addf %add3A_503, %slice3A_502 : vector<2048x128xf32>
    %slice3A_505 = vector.extract_strided_slice %broadcast_in_dim3A_14 {offsets = [0, 5888], sizes = [2048, 128], strides = [1, 1]} : vector<2048x8192xf32> to vector<2048x128xf32>
    %add3A_506 = arith.addf %add3A_504, %slice3A_505 : vector<2048x128xf32>
    %lt3A_507 = arith.cmpf olt, %add3A_506, %select_n3A_498 : vector<2048x128xf32>
    %select_n3A_508 = arith.select %lt3A_507, %add3A_506, %select_n3A_498 : vector<2048x128xi1>, vector<2048x128xf32>
    %jit3A_509 = arith.constant 14 : i32
    %broadcast_in_dim3A_510 = vector.broadcast %jit3A_509 : i32 to vector<2048x128xi32>
    %select_n3A_511 = arith.select %lt3A_507, %broadcast_in_dim3A_510, %select_n3A_501 : vector<2048x128xi1>, vector<2048x128xi32>
    %slice3A_512 = vector.extract_strided_slice %dot_general3A_357 {offsets = [0, 1920], sizes = [2048, 128], strides = [1, 1]} : vector<2048x4096xf32> to vector<2048x128xf32>
    %add3A_513 = vector.broadcast %broadcast_in_dim3A : vector<2048x1xf32> to vector<2048x128xf32>
    %add3A_514 = arith.addf %add3A_513, %slice3A_512 : vector<2048x128xf32>
    %slice3A_515 = vector.extract_strided_slice %broadcast_in_dim3A_14 {offsets = [0, 6016], sizes = [2048, 128], strides = [1, 1]} : vector<2048x8192xf32> to vector<2048x128xf32>
    %add3A_516 = arith.addf %add3A_514, %slice3A_515 : vector<2048x128xf32>
    %lt3A_517 = arith.cmpf olt, %add3A_516, %select_n3A_508 : vector<2048x128xf32>
    %select_n3A_518 = arith.select %lt3A_517, %add3A_516, %select_n3A_508 : vector<2048x128xi1>, vector<2048x128xf32>
    %jit3A_519 = arith.constant 15 : i32
    %broadcast_in_dim3A_520 = vector.broadcast %jit3A_519 : i32 to vector<2048x128xi32>
    %select_n3A_521 = arith.select %lt3A_517, %broadcast_in_dim3A_520, %select_n3A_511 : vector<2048x128xi1>, vector<2048x128xi32>
    %slice3A_522 = vector.extract_strided_slice %dot_general3A_357 {offsets = [0, 2048], sizes = [2048, 128], strides = [1, 1]} : vector<2048x4096xf32> to vector<2048x128xf32>
    %add3A_523 = vector.broadcast %broadcast_in_dim3A : vector<2048x1xf32> to vector<2048x128xf32>
    %add3A_524 = arith.addf %add3A_523, %slice3A_522 : vector<2048x128xf32>
    %slice3A_525 = vector.extract_strided_slice %broadcast_in_dim3A_14 {offsets = [0, 6144], sizes = [2048, 128], strides = [1, 1]} : vector<2048x8192xf32> to vector<2048x128xf32>
    %add3A_526 = arith.addf %add3A_524, %slice3A_525 : vector<2048x128xf32>
    %lt3A_527 = arith.cmpf olt, %add3A_526, %select_n3A_518 : vector<2048x128xf32>
    %select_n3A_528 = arith.select %lt3A_527, %add3A_526, %select_n3A_518 : vector<2048x128xi1>, vector<2048x128xf32>
    %jit3A_529 = arith.constant 16 : i32
    %broadcast_in_dim3A_530 = vector.broadcast %jit3A_529 : i32 to vector<2048x128xi32>
    %select_n3A_531 = arith.select %lt3A_527, %broadcast_in_dim3A_530, %select_n3A_521 : vector<2048x128xi1>, vector<2048x128xi32>
    %slice3A_532 = vector.extract_strided_slice %dot_general3A_357 {offsets = [0, 2176], sizes = [2048, 128], strides = [1, 1]} : vector<2048x4096xf32> to vector<2048x128xf32>
    %add3A_533 = vector.broadcast %broadcast_in_dim3A : vector<2048x1xf32> to vector<2048x128xf32>
    %add3A_534 = arith.addf %add3A_533, %slice3A_532 : vector<2048x128xf32>
    %slice3A_535 = vector.extract_strided_slice %broadcast_in_dim3A_14 {offsets = [0, 6272], sizes = [2048, 128], strides = [1, 1]} : vector<2048x8192xf32> to vector<2048x128xf32>
    %add3A_536 = arith.addf %add3A_534, %slice3A_535 : vector<2048x128xf32>
    %lt3A_537 = arith.cmpf olt, %add3A_536, %select_n3A_528 : vector<2048x128xf32>
    %select_n3A_538 = arith.select %lt3A_537, %add3A_536, %select_n3A_528 : vector<2048x128xi1>, vector<2048x128xf32>
    %jit3A_539 = arith.constant 17 : i32
    %broadcast_in_dim3A_540 = vector.broadcast %jit3A_539 : i32 to vector<2048x128xi32>
    %select_n3A_541 = arith.select %lt3A_537, %broadcast_in_dim3A_540, %select_n3A_531 : vector<2048x128xi1>, vector<2048x128xi32>
    %slice3A_542 = vector.extract_strided_slice %dot_general3A_357 {offsets = [0, 2304], sizes = [2048, 128], strides = [1, 1]} : vector<2048x4096xf32> to vector<2048x128xf32>
    %add3A_543 = vector.broadcast %broadcast_in_dim3A : vector<2048x1xf32> to vector<2048x128xf32>
    %add3A_544 = arith.addf %add3A_543, %slice3A_542 : vector<2048x128xf32>
    %slice3A_545 = vector.extract_strided_slice %broadcast_in_dim3A_14 {offsets = [0, 6400], sizes = [2048, 128], strides = [1, 1]} : vector<2048x8192xf32> to vector<2048x128xf32>
    %add3A_546 = arith.addf %add3A_544, %slice3A_545 : vector<2048x128xf32>
    %lt3A_547 = arith.cmpf olt, %add3A_546, %select_n3A_538 : vector<2048x128xf32>
    %select_n3A_548 = arith.select %lt3A_547, %add3A_546, %select_n3A_538 : vector<2048x128xi1>, vector<2048x128xf32>
    %jit3A_549 = arith.constant 18 : i32
    %broadcast_in_dim3A_550 = vector.broadcast %jit3A_549 : i32 to vector<2048x128xi32>
    %select_n3A_551 = arith.select %lt3A_547, %broadcast_in_dim3A_550, %select_n3A_541 : vector<2048x128xi1>, vector<2048x128xi32>
    %slice3A_552 = vector.extract_strided_slice %dot_general3A_357 {offsets = [0, 2432], sizes = [2048, 128], strides = [1, 1]} : vector<2048x4096xf32> to vector<2048x128xf32>
    %add3A_553 = vector.broadcast %broadcast_in_dim3A : vector<2048x1xf32> to vector<2048x128xf32>
    %add3A_554 = arith.addf %add3A_553, %slice3A_552 : vector<2048x128xf32>
    %slice3A_555 = vector.extract_strided_slice %broadcast_in_dim3A_14 {offsets = [0, 6528], sizes = [2048, 128], strides = [1, 1]} : vector<2048x8192xf32> to vector<2048x128xf32>
    %add3A_556 = arith.addf %add3A_554, %slice3A_555 : vector<2048x128xf32>
    %lt3A_557 = arith.cmpf olt, %add3A_556, %select_n3A_548 : vector<2048x128xf32>
    %select_n3A_558 = arith.select %lt3A_557, %add3A_556, %select_n3A_548 : vector<2048x128xi1>, vector<2048x128xf32>
    %jit3A_559 = arith.constant 19 : i32
    %broadcast_in_dim3A_560 = vector.broadcast %jit3A_559 : i32 to vector<2048x128xi32>
    %select_n3A_561 = arith.select %lt3A_557, %broadcast_in_dim3A_560, %select_n3A_551 : vector<2048x128xi1>, vector<2048x128xi32>
    %slice3A_562 = vector.extract_strided_slice %dot_general3A_357 {offsets = [0, 2560], sizes = [2048, 128], strides = [1, 1]} : vector<2048x4096xf32> to vector<2048x128xf32>
    %add3A_563 = vector.broadcast %broadcast_in_dim3A : vector<2048x1xf32> to vector<2048x128xf32>
    %add3A_564 = arith.addf %add3A_563, %slice3A_562 : vector<2048x128xf32>
    %slice3A_565 = vector.extract_strided_slice %broadcast_in_dim3A_14 {offsets = [0, 6656], sizes = [2048, 128], strides = [1, 1]} : vector<2048x8192xf32> to vector<2048x128xf32>
    %add3A_566 = arith.addf %add3A_564, %slice3A_565 : vector<2048x128xf32>
    %lt3A_567 = arith.cmpf olt, %add3A_566, %select_n3A_558 : vector<2048x128xf32>
    %select_n3A_568 = arith.select %lt3A_567, %add3A_566, %select_n3A_558 : vector<2048x128xi1>, vector<2048x128xf32>
    %jit3A_569 = arith.constant 20 : i32
    %broadcast_in_dim3A_570 = vector.broadcast %jit3A_569 : i32 to vector<2048x128xi32>
    %select_n3A_571 = arith.select %lt3A_567, %broadcast_in_dim3A_570, %select_n3A_561 : vector<2048x128xi1>, vector<2048x128xi32>
    %slice3A_572 = vector.extract_strided_slice %dot_general3A_357 {offsets = [0, 2688], sizes = [2048, 128], strides = [1, 1]} : vector<2048x4096xf32> to vector<2048x128xf32>
    %add3A_573 = vector.broadcast %broadcast_in_dim3A : vector<2048x1xf32> to vector<2048x128xf32>
    %add3A_574 = arith.addf %add3A_573, %slice3A_572 : vector<2048x128xf32>
    %slice3A_575 = vector.extract_strided_slice %broadcast_in_dim3A_14 {offsets = [0, 6784], sizes = [2048, 128], strides = [1, 1]} : vector<2048x8192xf32> to vector<2048x128xf32>
    %add3A_576 = arith.addf %add3A_574, %slice3A_575 : vector<2048x128xf32>
    %lt3A_577 = arith.cmpf olt, %add3A_576, %select_n3A_568 : vector<2048x128xf32>
    %select_n3A_578 = arith.select %lt3A_577, %add3A_576, %select_n3A_568 : vector<2048x128xi1>, vector<2048x128xf32>
    %jit3A_579 = arith.constant 21 : i32
    %broadcast_in_dim3A_580 = vector.broadcast %jit3A_579 : i32 to vector<2048x128xi32>
    %select_n3A_581 = arith.select %lt3A_577, %broadcast_in_dim3A_580, %select_n3A_571 : vector<2048x128xi1>, vector<2048x128xi32>
    %slice3A_582 = vector.extract_strided_slice %dot_general3A_357 {offsets = [0, 2816], sizes = [2048, 128], strides = [1, 1]} : vector<2048x4096xf32> to vector<2048x128xf32>
    %add3A_583 = vector.broadcast %broadcast_in_dim3A : vector<2048x1xf32> to vector<2048x128xf32>
    %add3A_584 = arith.addf %add3A_583, %slice3A_582 : vector<2048x128xf32>
    %slice3A_585 = vector.extract_strided_slice %broadcast_in_dim3A_14 {offsets = [0, 6912], sizes = [2048, 128], strides = [1, 1]} : vector<2048x8192xf32> to vector<2048x128xf32>
    %add3A_586 = arith.addf %add3A_584, %slice3A_585 : vector<2048x128xf32>
    %lt3A_587 = arith.cmpf olt, %add3A_586, %select_n3A_578 : vector<2048x128xf32>
    %select_n3A_588 = arith.select %lt3A_587, %add3A_586, %select_n3A_578 : vector<2048x128xi1>, vector<2048x128xf32>
    %jit3A_589 = arith.constant 22 : i32
    %broadcast_in_dim3A_590 = vector.broadcast %jit3A_589 : i32 to vector<2048x128xi32>
    %select_n3A_591 = arith.select %lt3A_587, %broadcast_in_dim3A_590, %select_n3A_581 : vector<2048x128xi1>, vector<2048x128xi32>
    %slice3A_592 = vector.extract_strided_slice %dot_general3A_357 {offsets = [0, 2944], sizes = [2048, 128], strides = [1, 1]} : vector<2048x4096xf32> to vector<2048x128xf32>
    %add3A_593 = vector.broadcast %broadcast_in_dim3A : vector<2048x1xf32> to vector<2048x128xf32>
    %add3A_594 = arith.addf %add3A_593, %slice3A_592 : vector<2048x128xf32>
    %slice3A_595 = vector.extract_strided_slice %broadcast_in_dim3A_14 {offsets = [0, 7040], sizes = [2048, 128], strides = [1, 1]} : vector<2048x8192xf32> to vector<2048x128xf32>
    %add3A_596 = arith.addf %add3A_594, %slice3A_595 : vector<2048x128xf32>
    %lt3A_597 = arith.cmpf olt, %add3A_596, %select_n3A_588 : vector<2048x128xf32>
    %select_n3A_598 = arith.select %lt3A_597, %add3A_596, %select_n3A_588 : vector<2048x128xi1>, vector<2048x128xf32>
    %jit3A_599 = arith.constant 23 : i32
    %broadcast_in_dim3A_600 = vector.broadcast %jit3A_599 : i32 to vector<2048x128xi32>
    %select_n3A_601 = arith.select %lt3A_597, %broadcast_in_dim3A_600, %select_n3A_591 : vector<2048x128xi1>, vector<2048x128xi32>
    %slice3A_602 = vector.extract_strided_slice %dot_general3A_357 {offsets = [0, 3072], sizes = [2048, 128], strides = [1, 1]} : vector<2048x4096xf32> to vector<2048x128xf32>
    %add3A_603 = vector.broadcast %broadcast_in_dim3A : vector<2048x1xf32> to vector<2048x128xf32>
    %add3A_604 = arith.addf %add3A_603, %slice3A_602 : vector<2048x128xf32>
    %slice3A_605 = vector.extract_strided_slice %broadcast_in_dim3A_14 {offsets = [0, 7168], sizes = [2048, 128], strides = [1, 1]} : vector<2048x8192xf32> to vector<2048x128xf32>
    %add3A_606 = arith.addf %add3A_604, %slice3A_605 : vector<2048x128xf32>
    %lt3A_607 = arith.cmpf olt, %add3A_606, %select_n3A_598 : vector<2048x128xf32>
    %select_n3A_608 = arith.select %lt3A_607, %add3A_606, %select_n3A_598 : vector<2048x128xi1>, vector<2048x128xf32>
    %jit3A_609 = arith.constant 24 : i32
    %broadcast_in_dim3A_610 = vector.broadcast %jit3A_609 : i32 to vector<2048x128xi32>
    %select_n3A_611 = arith.select %lt3A_607, %broadcast_in_dim3A_610, %select_n3A_601 : vector<2048x128xi1>, vector<2048x128xi32>
    %slice3A_612 = vector.extract_strided_slice %dot_general3A_357 {offsets = [0, 3200], sizes = [2048, 128], strides = [1, 1]} : vector<2048x4096xf32> to vector<2048x128xf32>
    %add3A_613 = vector.broadcast %broadcast_in_dim3A : vector<2048x1xf32> to vector<2048x128xf32>
    %add3A_614 = arith.addf %add3A_613, %slice3A_612 : vector<2048x128xf32>
    %slice3A_615 = vector.extract_strided_slice %broadcast_in_dim3A_14 {offsets = [0, 7296], sizes = [2048, 128], strides = [1, 1]} : vector<2048x8192xf32> to vector<2048x128xf32>
    %add3A_616 = arith.addf %add3A_614, %slice3A_615 : vector<2048x128xf32>
    %lt3A_617 = arith.cmpf olt, %add3A_616, %select_n3A_608 : vector<2048x128xf32>
    %select_n3A_618 = arith.select %lt3A_617, %add3A_616, %select_n3A_608 : vector<2048x128xi1>, vector<2048x128xf32>
    %jit3A_619 = arith.constant 25 : i32
    %broadcast_in_dim3A_620 = vector.broadcast %jit3A_619 : i32 to vector<2048x128xi32>
    %select_n3A_621 = arith.select %lt3A_617, %broadcast_in_dim3A_620, %select_n3A_611 : vector<2048x128xi1>, vector<2048x128xi32>
    %slice3A_622 = vector.extract_strided_slice %dot_general3A_357 {offsets = [0, 3328], sizes = [2048, 128], strides = [1, 1]} : vector<2048x4096xf32> to vector<2048x128xf32>
    %add3A_623 = vector.broadcast %broadcast_in_dim3A : vector<2048x1xf32> to vector<2048x128xf32>
    %add3A_624 = arith.addf %add3A_623, %slice3A_622 : vector<2048x128xf32>
    %slice3A_625 = vector.extract_strided_slice %broadcast_in_dim3A_14 {offsets = [0, 7424], sizes = [2048, 128], strides = [1, 1]} : vector<2048x8192xf32> to vector<2048x128xf32>
    %add3A_626 = arith.addf %add3A_624, %slice3A_625 : vector<2048x128xf32>
    %lt3A_627 = arith.cmpf olt, %add3A_626, %select_n3A_618 : vector<2048x128xf32>
    %select_n3A_628 = arith.select %lt3A_627, %add3A_626, %select_n3A_618 : vector<2048x128xi1>, vector<2048x128xf32>
    %jit3A_629 = arith.constant 26 : i32
    %broadcast_in_dim3A_630 = vector.broadcast %jit3A_629 : i32 to vector<2048x128xi32>
    %select_n3A_631 = arith.select %lt3A_627, %broadcast_in_dim3A_630, %select_n3A_621 : vector<2048x128xi1>, vector<2048x128xi32>
    %slice3A_632 = vector.extract_strided_slice %dot_general3A_357 {offsets = [0, 3456], sizes = [2048, 128], strides = [1, 1]} : vector<2048x4096xf32> to vector<2048x128xf32>
    %add3A_633 = vector.broadcast %broadcast_in_dim3A : vector<2048x1xf32> to vector<2048x128xf32>
    %add3A_634 = arith.addf %add3A_633, %slice3A_632 : vector<2048x128xf32>
    %slice3A_635 = vector.extract_strided_slice %broadcast_in_dim3A_14 {offsets = [0, 7552], sizes = [2048, 128], strides = [1, 1]} : vector<2048x8192xf32> to vector<2048x128xf32>
    %add3A_636 = arith.addf %add3A_634, %slice3A_635 : vector<2048x128xf32>
    %lt3A_637 = arith.cmpf olt, %add3A_636, %select_n3A_628 : vector<2048x128xf32>
    %select_n3A_638 = arith.select %lt3A_637, %add3A_636, %select_n3A_628 : vector<2048x128xi1>, vector<2048x128xf32>
    %jit3A_639 = arith.constant 27 : i32
    %broadcast_in_dim3A_640 = vector.broadcast %jit3A_639 : i32 to vector<2048x128xi32>
    %select_n3A_641 = arith.select %lt3A_637, %broadcast_in_dim3A_640, %select_n3A_631 : vector<2048x128xi1>, vector<2048x128xi32>
    %slice3A_642 = vector.extract_strided_slice %dot_general3A_357 {offsets = [0, 3584], sizes = [2048, 128], strides = [1, 1]} : vector<2048x4096xf32> to vector<2048x128xf32>
    %add3A_643 = vector.broadcast %broadcast_in_dim3A : vector<2048x1xf32> to vector<2048x128xf32>
    %add3A_644 = arith.addf %add3A_643, %slice3A_642 : vector<2048x128xf32>
    %slice3A_645 = vector.extract_strided_slice %broadcast_in_dim3A_14 {offsets = [0, 7680], sizes = [2048, 128], strides = [1, 1]} : vector<2048x8192xf32> to vector<2048x128xf32>
    %add3A_646 = arith.addf %add3A_644, %slice3A_645 : vector<2048x128xf32>
    %lt3A_647 = arith.cmpf olt, %add3A_646, %select_n3A_638 : vector<2048x128xf32>
    %select_n3A_648 = arith.select %lt3A_647, %add3A_646, %select_n3A_638 : vector<2048x128xi1>, vector<2048x128xf32>
    %jit3A_649 = arith.constant 28 : i32
    %broadcast_in_dim3A_650 = vector.broadcast %jit3A_649 : i32 to vector<2048x128xi32>
    %select_n3A_651 = arith.select %lt3A_647, %broadcast_in_dim3A_650, %select_n3A_641 : vector<2048x128xi1>, vector<2048x128xi32>
    %slice3A_652 = vector.extract_strided_slice %dot_general3A_357 {offsets = [0, 3712], sizes = [2048, 128], strides = [1, 1]} : vector<2048x4096xf32> to vector<2048x128xf32>
    %add3A_653 = vector.broadcast %broadcast_in_dim3A : vector<2048x1xf32> to vector<2048x128xf32>
    %add3A_654 = arith.addf %add3A_653, %slice3A_652 : vector<2048x128xf32>
    %slice3A_655 = vector.extract_strided_slice %broadcast_in_dim3A_14 {offsets = [0, 7808], sizes = [2048, 128], strides = [1, 1]} : vector<2048x8192xf32> to vector<2048x128xf32>
    %add3A_656 = arith.addf %add3A_654, %slice3A_655 : vector<2048x128xf32>
    %lt3A_657 = arith.cmpf olt, %add3A_656, %select_n3A_648 : vector<2048x128xf32>
    %select_n3A_658 = arith.select %lt3A_657, %add3A_656, %select_n3A_648 : vector<2048x128xi1>, vector<2048x128xf32>
    %jit3A_659 = arith.constant 29 : i32
    %broadcast_in_dim3A_660 = vector.broadcast %jit3A_659 : i32 to vector<2048x128xi32>
    %select_n3A_661 = arith.select %lt3A_657, %broadcast_in_dim3A_660, %select_n3A_651 : vector<2048x128xi1>, vector<2048x128xi32>
    %slice3A_662 = vector.extract_strided_slice %dot_general3A_357 {offsets = [0, 3840], sizes = [2048, 128], strides = [1, 1]} : vector<2048x4096xf32> to vector<2048x128xf32>
    %add3A_663 = vector.broadcast %broadcast_in_dim3A : vector<2048x1xf32> to vector<2048x128xf32>
    %add3A_664 = arith.addf %add3A_663, %slice3A_662 : vector<2048x128xf32>
    %slice3A_665 = vector.extract_strided_slice %broadcast_in_dim3A_14 {offsets = [0, 7936], sizes = [2048, 128], strides = [1, 1]} : vector<2048x8192xf32> to vector<2048x128xf32>
    %add3A_666 = arith.addf %add3A_664, %slice3A_665 : vector<2048x128xf32>
    %lt3A_667 = arith.cmpf olt, %add3A_666, %select_n3A_658 : vector<2048x128xf32>
    %select_n3A_668 = arith.select %lt3A_667, %add3A_666, %select_n3A_658 : vector<2048x128xi1>, vector<2048x128xf32>
    %jit3A_669 = arith.constant 30 : i32
    %broadcast_in_dim3A_670 = vector.broadcast %jit3A_669 : i32 to vector<2048x128xi32>
    %select_n3A_671 = arith.select %lt3A_667, %broadcast_in_dim3A_670, %select_n3A_661 : vector<2048x128xi1>, vector<2048x128xi32>
    %slice3A_672 = vector.extract_strided_slice %dot_general3A_357 {offsets = [0, 3968], sizes = [2048, 128], strides = [1, 1]} : vector<2048x4096xf32> to vector<2048x128xf32>
    %add3A_673 = vector.broadcast %broadcast_in_dim3A : vector<2048x1xf32> to vector<2048x128xf32>
    %add3A_674 = arith.addf %add3A_673, %slice3A_672 : vector<2048x128xf32>
    %slice3A_675 = vector.extract_strided_slice %broadcast_in_dim3A_14 {offsets = [0, 8064], sizes = [2048, 128], strides = [1, 1]} : vector<2048x8192xf32> to vector<2048x128xf32>
    %add3A_676 = arith.addf %add3A_674, %slice3A_675 : vector<2048x128xf32>
    %lt3A_677 = arith.cmpf olt, %add3A_676, %select_n3A_668 : vector<2048x128xf32>
    %select_n3A_678 = arith.select %lt3A_677, %add3A_676, %select_n3A_668 : vector<2048x128xi1>, vector<2048x128xf32>
    %jit3A_679 = arith.constant 31 : i32
    %broadcast_in_dim3A_680 = vector.broadcast %jit3A_679 : i32 to vector<2048x128xi32>
    %select_n3A_681 = arith.select %lt3A_677, %broadcast_in_dim3A_680, %select_n3A_671 : vector<2048x128xi1>, vector<2048x128xi32>
    %reduce_min3A_682 = arith.constant dense<0x7F800000> : vector<2048xf32>
    %reduce_min3A_683 = vector.multi_reduction <minimumf>, %select_n3A_678, %reduce_min3A_682 [1] : vector<2048x128xf32> to vector<2048xf32>
    %mul3A_684 = arith.constant 128 : i32
    %mul3A_685 = vector.broadcast %mul3A_684 : i32 to vector<2048x128xi32>
    %mul3A_686 = arith.muli %select_n3A_681, %mul3A_685 : vector<2048x128xi32>
    %add3A_687 = arith.addi %mul3A_686, %iota3A : vector<2048x128xi32>
    %add3A_688 = arith.constant 4096 : i32
    %add3A_689 = vector.broadcast %add3A_688 : i32 to vector<2048x128xi32>
    %add3A_690 = arith.addi %add3A_687, %add3A_689 : vector<2048x128xi32>
    %broadcast_in_dim3A_691 = vector.shape_cast %reduce_min3A_683 : vector<2048xf32> to vector<2048x1xf32>
    %eq3A_692 = vector.broadcast %broadcast_in_dim3A_691 : vector<2048x1xf32> to vector<2048x128xf32>
    %eq3A_693 = arith.cmpf oeq, %select_n3A_678, %eq3A_692 : vector<2048x128xf32>
    %jit3A_694 = arith.constant 8192 : i32
    %broadcast_in_dim3A_695 = vector.broadcast %jit3A_694 : i32 to vector<2048x128xi32>
    %select_n3A_696 = arith.select %eq3A_693, %add3A_690, %broadcast_in_dim3A_695 : vector<2048x128xi1>, vector<2048x128xi32>
    %reduce_min3A_697 = arith.constant dense<2147483647> : vector<2048xi32>
    %reduce_min3A_698 = vector.multi_reduction <minsi>, %select_n3A_696, %reduce_min3A_697 [1] : vector<2048x128xi32> to vector<2048xi32>
    %convert_element_type3A_699 = arith.truncf %reduce_min3A_338 : vector<2048xf32> to vector<2048xbf16>
    %convert_element_type3A_700 = arith.extf %convert_element_type3A_699 : vector<2048xbf16> to vector<2048xf32>
    %lt3A_701 = arith.cmpf olt, %reduce_min3A_683, %convert_element_type3A_700 : vector<2048xf32>
    %select_n3A_702 = arith.select %lt3A_701, %reduce_min3A_698, %reduce_min3A_352 : vector<2048xi1>, vector<2048xi32>
    %swap3A = arith.constant 0 : index
    %swap3A_703 = arith.constant 0 : index
    %swap3A_704 = arith.constant 0 : index
    %swap3A_705 = vector.load %arg4[%swap3A, %swap3A_703, %swap3A_704] : memref<1x1x2048xi32, #tpu.memory_space<vmem>>, vector<1x1x2048xi32>
    %swap3A_706 = vector.shape_cast %swap3A_705 : vector<1x1x2048xi32> to vector<2048xi32>
    %swap3A_707 = vector.shape_cast %select_n3A_702 : vector<2048xi32> to vector<1x1x2048xi32>
    tpu.vector_store %arg4[%swap3A, %swap3A_703, %swap3A_704], %swap3A_707 {strides = array<i32>} : memref<1x1x2048xi32, #tpu.memory_space<vmem>>, vector<1x1x2048xi32>,
    return
  }
  func.func @transform_0(%arg0: i32) -> (i32, i32) {
    %c0_i32 = arith.constant 0 : i32
    %c0_i32_0 = arith.constant 0 : i32
    return %arg0, %c0_i32 : i32, i32
  }
  func.func @transform_1(%arg0: i32) -> (i32, i32) {
    %c0_i32 = arith.constant 0 : i32
    %c0_i32_0 = arith.constant 0 : i32
    %c0_i32_1 = arith.constant 0 : i32
    return %c0_i32, %c0_i32_0 : i32, i32
  }
  func.func @transform_2(%arg0: i32) -> (i32, i32) {
    %c0_i32 = arith.constant 0 : i32
    %c0_i32_0 = arith.constant 0 : i32
    %c0_i32_1 = arith.constant 0 : i32
    return %c0_i32, %c0_i32_0 : i32, i32
  }
  func.func @transform_3(%arg0: i32) -> (i32, i32, i32) {
    %c0_i32 = arith.constant 0 : i32
    %c0_i32_0 = arith.constant 0 : i32
    %c0_i32_1 = arith.constant 0 : i32
    return %arg0, %c0_i32, %c0_i32_0 : i32, i32, i32
  }
}

</mosaic_0001>

<sc_bundles>
// kernel: kernel.4.cloned.1.call-start
scs
__scs_entry_jumppad:
0x0: {  	(pc) =	sbr.rel $0x88, $3  }
0x1: {  	(tag) =	ssettag $0x0;
	lr =	simm.s32 $0x1  }
0x2: {  	[smem:$0x3F9F] =	sst lr;
	_ =	strace $0xD0000000  }
0x3: {  	_ = 	snop  }
0x4: {  	_ = 	snop  }
0x5: {  	_ = 	snop  }
0x6: {  	_ = 	snop  }
0x7: {  	_ = 	snop  }
__scs_overlays_trampoline_lowered:
0x8: {  	[smem:$0x3FAE] =	sst s0  }
0x9: {  	[smem:$0x3FAF] =	sst s1  }
0xa: {  	[smem:$0x3FB0] =	sst s2  }
0xb: {  	[smem:$0x3FB1] =	sst s3  }
0xc: {  	[smem:$0x3FB2] =	sst s4  }
0xd: {  	[smem:$0x3FB3] =	sst s5  }
0xe: {  	[smem:$0x3FB4] =	sst s6  }
0xf: {  	[smem:$0x3FB5] =	sst s7  }
0x10: {  	[smem:$0x3FB6] =	sst s8  }
0x11: {  	[smem:$0x3FB7] =	sst s9;
	s0 =	simm.s32 @!p0 $0x0  }
0x12: {  	s1 =	sld [smem:$0x3F9D];
	s0 =	simm.s32 @p0 $0x1  }
0x13: {  	[smem:$0x3FB8] =	sst s0;
	s0 =	simm.s32 @!p1 $0x0  }
0x14: {  	s2 =	sld [smem:$0x3F9C];
	s0 =	simm.s32 @p1 $0x1  }
0x15: {  	[smem:$0x3FB9] =	sst s0;
	s0 =	simm.s32 @!p2 $0x0  }
0x16: {  	s3 =	sld [smem:$0x3FDB];
	s0 =	simm.s32 @p2 $0x1  }
0x17: {  	s4 =	simm.s32 $0x1BF5;
	[smem:$0x3FBB] =	sst s0  }
0x18: {  	s0 =	sld [smem:$0x3F9E];
	_ =	swait.ge [sflag:s4], $0x0  }
0x19: {  	s7 =	sld [smem:$0x3F9F]  }
0x1a: {  	s8 =	sadd.s32 $0xFFFFE003, lr  }
0x1b: {  	s9 =	sadd.s32 $0xFFFFFEF7, lr;
	s5 =	simm.s32 $0xFFFFFFFF;
	p2 =	slt.u32 s8, $0xFFFFF086  }
0x1c: {  	p1 =	slt.u32 s9, $0xF7A;
	s5 =	simm.s32 @!p2 $0x0  }
0x1d: {  	s5 =	simm.s32 @p1 $0x1;
	p0 =	seq.s32 s7, s2  }
0x1e: {  	s7 =	smul.u32 @!p0 $0xF7A, s2;
	p2 =	seq.s32 @!p0 s5, $0x0  }
0x1f: {  	s9 =	smul.u32 $0xF7A, s1;
	s8 =	simm.s32 @!p0 $0x1BF5;
	p2 =	por !p2, p0  }
0x20: {  	[sflag:s8] =	ssyncset.s32 @!p0 $0xFFFFF086;
	s6 =	sadd.s32 @!p0 s3, s7;
	s7 =	simm.s32 @!p0 $0x108  }
0x21: {  	s3 =	sadd.s32 s3, s9;
	s6 =	sadd.s32 @!p0 $0x88, s6;
	s7 =	simm.s32 @p2 $0x1082  }
0x22: {  	[simem:s7], [sflag:s8] =	dma.local @!p0 [hbm:s6], $0xF7A  }
0x23: {  	s9 =	sor.u32 $0xD0000000, s2;
	s6 =	simm.s32 $0x108;
	_ =	swait.ge @!p0 [sflag:s8], $0x0  }
0x24: {  	s3 =	sadd.s32 $0x88, s3;
	s6 =	simm.s32 @!p1 $0x1082;
	[sflag:s4] =	ssyncset.s32 $0xFFFFF086  }
0x25: {  	[simem:s6], [sflag:s4] =	dma.local [hbm:s3], $0xF7A  }
0x26: {  	[smem:$0x3F9F] =	sst s1;
	(tag) =	ssettag s2;
	_ =	strace s9  }
0x27: {  	s1 =	sld [smem:$0x3FAF]  }
0x28: {  	s2 =	sld [smem:$0x3FB0]  }
0x29: {  	s4 =	sld [smem:$0x3FB2]  }
0x2a: {  	p0 =	seq.s32 s5, $0x0;
	s5 =	sld [smem:$0x3FB3]  }
0x2b: {  	s6 =	sld [smem:$0x3FB4]  }
0x2c: {  	s7 =	sld [smem:$0x3FB5]  }
0x2d: {  	s3 =	simm.s32 $0x108;
	s8 =	sld [smem:$0x3FB6]  }
0x2e: {  	s3 =	simm.s32 @!p0 $0x1082;
	s9 =	sld [smem:$0x3FB7]  }
0x2f: {  	lr =	sadd.s32 s0, s3;
	s0 =	sld [smem:$0x3FAE]  }
0x30: {  	s3 =	sld [smem:$0x3FB1]  }
0x31: {  	[smem:$0x3FBA] =	sst s10  }
0x32: {  	s10 =	sld [smem:$0x3FB8];
	_ =	sdelay $0x3  }
0x33: {  	p0 =	seq.s32 s10, $0x1;
	s10 =	sld [smem:$0x3FBA];
	_ =	sdelay $0x3  }
0x34: {  	[smem:$0x3FBA] =	sst s10  }
0x35: {  	s10 =	sld [smem:$0x3FB9];
	_ =	sdelay $0x3  }
0x36: {  	p1 =	seq.s32 s10, $0x1;
	s10 =	sld [smem:$0x3FBA];
	_ =	sdelay $0x3  }
0x37: {  	[smem:$0x3FBA] =	sst s10  }
0x38: {  	s10 =	sld [smem:$0x3FBB]  }
0x39: {  	_ = 	snop;
	(pc) =	sbr.ind lr, $3  }
0x3a: {  	_ = 	snop  }
0x3b: {  	_ = 	snop  }
0x3c: {  	p2 =	seq.s32 s10, $0x1;
	s10 =	sld [smem:$0x3FBA]  }
0x3d: {  	_ =	shalt  }
0x3e: {  	_ =	shalt  }
0x3f: {  	_ =	shalt  }
0x40: {  	_ =	shalt  }
0x41: {  	_ =	shalt  }
0x42: {  	_ =	shalt  }
0x43: {  	_ =	shalt  }
0x44: {  	_ =	shalt  }
0x45: {  	_ =	shalt  }
0x46: {  	_ =	shalt  }
0x47: {  	_ =	shalt  }
0x48: {  	_ =	shalt  }
0x49: {  	_ =	shalt  }
0x4a: {  	_ =	shalt  }
0x4b: {  	_ =	shalt  }
0x4c: {  	_ =	shalt  }
0x4d: {  	_ =	shalt  }
0x4e: {  	_ =	shalt  }
0x4f: {  	_ =	shalt  }
0x50: {  	_ =	shalt  }
0x51: {  	_ =	shalt  }
0x52: {  	_ =	shalt  }
0x53: {  	_ =	shalt  }
0x54: {  	_ =	shalt  }
0x55: {  	_ =	shalt  }
0x56: {  	_ =	shalt  }
0x57: {  	_ =	shalt  }
0x58: {  	_ =	shalt  }
0x59: {  	_ =	shalt  }
0x5a: {  	_ =	shalt  }
0x5b: {  	_ =	shalt  }
0x5c: {  	_ =	shalt  }
0x5d: {  	_ =	shalt  }
0x5e: {  	_ =	shalt  }
0x5f: {  	_ =	shalt  }
0x60: {  	_ =	shalt  }
0x61: {  	_ =	shalt  }
0x62: {  	_ =	shalt  }
0x63: {  	_ =	shalt  }
0x64: {  	_ =	shalt  }
0x65: {  	_ =	shalt  }
0x66: {  	_ =	shalt  }
0x67: {  	_ =	shalt  }
0x68: {  	_ =	shalt  }
0x69: {  	_ =	shalt  }
0x6a: {  	_ =	shalt  }
0x6b: {  	_ =	shalt  }
0x6c: {  	_ =	shalt  }
0x6d: {  	_ =	shalt  }
0x6e: {  	_ =	shalt  }
0x6f: {  	_ =	shalt  }
0x70: {  	_ =	shalt  }
0x71: {  	_ =	shalt  }
0x72: {  	_ =	shalt  }
0x73: {  	_ =	shalt  }
0x74: {  	_ =	shalt  }
0x75: {  	_ =	shalt  }
0x76: {  	_ =	shalt  }
0x77: {  	_ =	shalt  }
0x78: {  	_ =	shalt  }
0x79: {  	_ =	shalt  }
0x7a: {  	_ =	shalt  }
0x7b: {  	_ =	shalt  }
0x7c: {  	_ =	shalt  }
0x7d: {  	_ =	shalt  }
0x7e: {  	_ =	shalt  }
0x7f: {  	_ =	shalt  }
0x80: {  	_ =	shalt  }
0x81: {  	_ =	shalt  }
0x82: {  	_ =	shalt  }
0x83: {  	_ =	shalt  }
0x84: {  	_ =	shalt  }
0x85: {  	_ =	shalt  }
0x86: {  	_ =	shalt  }
0x87: {  	_ =	shalt  }
.Lfunc_end0:
.L_simem_size_0:
called_computation_lowered:
.L_overlay_start_0:
0x88: {  	s2 =	sld [smem:$0x3FD9]  }
0x89: {  	s3 =	sld [smem:$0x3FFE];
	_ =	sdelay $0x1  }
0x8a: {  	s1 =	srdreg.scid  }
0x8b: {  	s0 =	sand.u32 $0x1, s1  }
0x8c: {  	s14 =	sshll.u32 s0, $0xA;
	s2 =	sadd.s32 s3, s2  }
0x8d: {  	s2 =	sadd.s32 s2, s14  }
0x8e: {  	[smem:$0x3FC6] =	sst s2  }
0x8f: {  	_ = 	snop  }
0x90: {  	s2 =	sld [smem:$0x3FD0];
	_ =	sdelay $0x2  }
0x91: {  	s15 =	simm.s32 $0xA;
	s4 =	simm.s32 $0x10  }
0x92: {  	[smem:s4], [sflag:s15] =	dma.local [hbm:s2], $0x1  }
0x93: {  	_ =	swait.eq [sflag:s15], $0x1  }
0x94: {  	[sflag:s15] =	ssyncset.done $0x0  }
0x95: {  	[sflag:s15] =	ssyncadd.s32 $0xFFFFFFFF  }
0x96: {  	s16 =	sld [smem:$0x10];
	(tm) =	ssettm $0x1  }
0x97: {  	s17 =	sld [smem:$0x3FFB];
	_ =	sdelay $0x3  }
0x98: {  	_ =	strace s17  }
0x99: {  	s3 =	sld [smem:$0x3FFC];
	_ =	sdelay $0x3  }
0x9a: {  	_ =	strace s3  }
0x9b: {  	s3 =	sld [smem:$0x3FFD];
	_ =	sdelay $0x3  }
0x9c: {  	_ =	strace s3  }
0x9d: {  	_ =	strace $0x8FFFFFFF  }
0x9e: {  	s18 =	sld [smem:$0x3FDB];
	_ =	sdelay $0x1  }
0x9f: {  	s19 =	simm.s32 $_scs_section_size  }
0xa0: {  	s5 =	simm.s32 $_size__tile_overlayer_lowered;
	s6 =	simm.s32 $_tile_overlayer_lowered  }
0xa1: {  	s22 =	simm.s32 $0x1BFF;
	s21 =	sshll.u32 s6, $0x1;
	s3 =	sadd.s32 s19, s18  }
0xa2: {  	s7 =	simm.s32 $0x0;
	s20 =	sshll.u32 s5, $0x1;
	s5 =	sadd.s32 s21, s3  }
0xa3: {  	[timem:s7], [sflag:s22] =	dma.local [hbm:s5], s20  }
0xa4: {  	_ =	swait.ge [sflag:s22], s20  }
0xa5: {  	s4 =	ssub.s32 $0x0, s20;
	[sflag:s22] =	ssyncset.done $0x0  }
0xa6: {  	[sflag:s22] =	ssyncadd.s32 s4;
	_ =	sdelay $0x1  }
0xa7: {  	s23 =	simm.s32 $0x1B8B  }
0xa8: {  	_ =	swait.ge [sflag:s23], $0x1  }
0xa9: {  	[sflag:s23] =	ssyncset.done $0x0  }
0xaa: {  	s25 =	simm.s32 $0x1B8E;
	s24 =	sld [smem:$0x3FFE];
	[sflag:s23] =	ssyncadd.s32 $0xFFFFFFFF  }
0xab: {  	s26 =	simm.s32 $execute0_lowered;
	[smem:$0x3FD2] =	sst s25  }
0xac: {  	s5 =	sshll.u32 s26, $0x1;
	_ =	strace $0x80000046;
	[dreg:$0x1] =	wrdreg $0xFFFFFFFF  }
0xad: {  	s28 =	simm.s32 $_size_execute0_lowered;
	s3 =	sadd.s32 s3, s5;
	[dreg:$0x0] =	wrdreg $0x0  }
0xae: {  	s5 =	sshll.u32 s28, $0x1;
	[dreg:$0x2] =	wrdreg s3  }
0xaf: {  	[dreg:$0x3] =	wrdreg s5  }
0xb0: {  	[dreg:$0x4] =	wrdreg $0xC0  }
0xb1: {  	_ =	task [dreg:s7], $0x5FFFF  }
0xb2: {  	[dreg:$0x1] =	wrdreg $0xFFFFFFFF  }
0xb3: {  	[dreg:$0x0] =	wrdreg $0x60  }
0xb4: {  	[dreg:$0x2] =	wrdreg s24  }
0xb5: {  	[dreg:$0x3] =	wrdreg s16  }
0xb6: {  	[dreg:$0x4] =	wrdreg $0x9  }
0xb7: {  	_ =	task.clear_ibuf [dreg:s7], $0x5FFFF;
	_ =	strace $0x90000046  }
0xb8: {  	s29 =	simm.s32 $0x9;
	_ =	strace $0x80000048  }
0xb9: {  	_ =	swait.ge [sflag:s29], $0x1  }
0xba: {  	[sflag:s29] =	ssyncadd.s32 $0xFFFFFFFF  }
0xbb: {  	_ =	strace $0x90000048  }
0xbc: {  	_ =	sfence  }
0xbd: {  	s30 =	sld [smem:$0x0];
	_ =	sdelay $0x2  }
0xbe: {  	s31 =	sshll.u32 s1, $0xD;
	s1 =	sshrl.u32 s1, $0x2  }
0xbf: {  	s3 =	sand.u32 $0x4000, s31;
	s1 =	sadd.s32 s1, s30  }
0xc0: {  	s0 =	sor.u32 s3, s0;
	s1 =	sshll.u32 s1, $0x11  }
0xc1: {  	s0 =	sor.u32 s1, s0  }
0xc2: {  	s0 =	sadd.s32 $0x8F2B, s0  }
0xc3: {  	[sflag:s0] =	ssyncadd.remote.s32 $0x1  }
0xc4: {  	_ =	sfence.sel $0xFFFF  }
0xc5: {  	[dreg:$0x0] =	wrdreg $0xFFFFFFFF;
	(pc) =	sbr.abs _section_cstart, $3  }
0xc6: {  	[dreg:$0x1] =	wrdreg $0xFFFFFFFF  }
0xc7: {  	_ =	task.clear_ibuf [dreg:s7], $0x2FFFF;
	_ =	strace $0x9FFFFFFF  }
0xc8: {  	(tm) =	ssettm $0x7FFFFFFF  }
0xc9: {  	_ =	shalt  }
tec
execute0_lowered:
.L_overlay_start_1:
0x0: {  	(tag) =	ssettag $0x1  }
0x1: {  	s1 =	srdreg.scid  }
0x2: {  	s0 =	stileid.u32;
	s6 =	sand.u32 $0x1, s1  }
0x3: {  	s5 =	rddreg [dreg:$0x0];
	s30 =	sshll.u32 s0, $0xB;
	s2 =	sshll.u32 s6, $0xA  }
0x4: {  	s8 =	rddreg [dreg:$0x1];
	s9 =	sor.u32 s2, s30  }
0x5: {  	s1 =	rddreg [dreg:$0x2];
	s2 =	simm.s32 $0x0;
	s3 =	sshrl.u32 s9, $0x3  }
0x6: {  	s10 =	ssub.s32 $0x2, s6;
	[smem:$0x7FF] =	sst s2;
	s3 =	sadd.s32 s3, s5  }
0x7: {  	_ =	strace $0x80000047;
	s4 =	sadd.s32 $0xC00, s3;
	s3 =	simm.s32 $0x2  }
0x8: {  	[tilespmem:s2], [sflag:$0x2] =	stream.linear.gather [hbm4b:s4+s2], $0x400, $0x38;
	[tilespmem:$0x8400] =	vst v63  }
0x9: {  	s7 =	simm.s32 $0x1;
	s11 =	sshrl.u32 s10, $0x1;
	_ =	swait.ge [sflag:s3], $0x400  }
0xa: {  	s6 =	simm.s32 $0x400;
	s10 =	ssub.s32 s10, s11;
	[sflag:s3] =	ssyncset.done $0x0  }
0xb: {  	s5 =	sadd.s32 $0x80C00, s5;
	s31 =	smax.u32 s10, $0x1;
	[sflag:s3] =	ssyncadd.s32 $0xFFFFFC00  }
0xc: {  	[tilespmem:s6], [sflag:$0x1] =	stream.indirect.gather [hbm4b:s5+s6], $0x20, s2, s6, $0xb8;
	[tilespmem:$0x8400] =	vst v63  }
0xd: {  	p0 =	sne.s32 s31, $0x1;
	_ =	swait.ge [sflag:s7], $0x8000  }
.Ltmp0:
0xe: {  	s9 =	sshll.u32 s9, $0x2;
	[sflag:s7] =	ssyncset.done $0x0;
	(pc) =	sbr.rel @!p0 .LBB2_2-.Ltmp0, $4  }
0xf: {  	s8 =	sadd.s32 s8, s9;
	[sflag:s7] =	ssyncadd.s32 $0xFFFF8000  }
0x10: {  	[hbm4b:s8+s2] =	stream.linear.scatter [tilespmem:s6], [sflag:$0x2], $0x8000, $0x38;
	[tilespmem:$0x8400] =	vst v63  }
0x11: {  	_ =	swait.ge [sflag:s3], $0x8000  }
0x12: {  	s9 =	sadd.s32 $0xFFFFFFFF, s31;
	[sflag:s3] =	ssyncset.done $0x0  }
.LBB2_1:
0x13: {  	p0 =	sne.s32 s9, $0x1;
	s9 =	sadd.s32 $0xFFFFFFFF, s9;
	[sflag:s3] =	ssyncadd.s32 $0xFFFF8000  }
0x14: {  	[tilespmem:s2], [sflag:$0x2] =	stream.linear.gather [hbm4b:s4+s2], $0x400, $0x38;
	[tilespmem:$0x8400] =	vst v63  }
0x15: {  	_ =	swait.ge [sflag:s3], $0x400  }
0x16: {  	[sflag:s3] =	ssyncset.done $0x0  }
0x17: {  	[sflag:s3] =	ssyncadd.s32 $0xFFFFFC00  }
0x18: {  	[tilespmem:s6], [sflag:$0x1] =	stream.indirect.gather [hbm4b:s5+s6], $0x20, s2, s6, $0xb8;
	[tilespmem:$0x8400] =	vst v63  }
0x19: {  	_ =	swait.ge [sflag:s7], $0x8000  }
.Ltmp1:
0x1a: {  	[sflag:s7] =	ssyncset.done $0x0;
	(pc) =	sbr.rel @p0 .LBB2_1-.Ltmp1, $4  }
0x1b: {  	[sflag:s7] =	ssyncadd.s32 $0xFFFF8000  }
0x1c: {  	[hbm4b:s8+s2] =	stream.linear.scatter [tilespmem:s6], [sflag:$0x2], $0x8000, $0x38;
	[tilespmem:$0x8400] =	vst v63  }
0x1d: {  	_ =	swait.ge [sflag:s3], $0x8000  }
0x1e: {  	[sflag:s3] =	ssyncset.done $0x0  }
.LBB2_2:
0x1f: {  	[sflag:s3] =	ssyncadd.s32 $0xFFFF8000  }
0x20: {  	_ =	sfence.sel $0x180000  }
0x21: {  	[bflag:$0x0] =	sbarrier.arrive $0xFFFF  }
0x22: {  	p0 =	sne.s32 s0, $0x0;
	_ =	strace $0x90000047  }
0x23: {  	s0 =	sadd.s32 @!p0 $0x100000, s1;
	[bflag:$0x2] =	sbarrier.arrive $0xFFFF  }
0x24: {  	[sflag:s0] =	ssyncadd.tile.s32 @!p0 $0x1;
	_ =	shalt  }
.Lfunc_end2:
_tile_overlayer_lowered:
.L_overlay_start_2:
0x25: {  	(tag) =	ssettag $0x2  }
0x26: {  	s0 =	rddreg [dreg:$0x0];
	s2 =	stileid.u32  }
0x27: {  	s1 =	rddreg [dreg:$0x1];
	p0 =	sne.s32 s2, $0x0  }
0x28: {  	s3 =	rddreg [dreg:$0x2];
	[bflag:$0x3] =	sbarrier.arrive $0xFFFF;
	s2 =	simm.s32 @!p0 $0x1C02  }
0x29: {  	[timem:s3], [sflag:s2] =	dma.local @!p0 [hbm:s0], s1  }
0x2a: {  	s0 =	simm.s32 @!p0 $0x2  }
0x2b: {  	_ =	swait.ge @!p0 [sflag:s0], s1  }
0x2c: {  	s1 =	ssub.s32 @!p0 $0x0, s1;
	[sflag:s0] =	ssyncset.done @!p0 $0x0  }
0x2d: {  	[sflag:s0] =	ssyncadd.s32 @!p0 s1  }
0x2e: {  	[bflag:$0x3] =	sbarrier.arrive $0xFFFF  }
0x2f: {  	_ =	shalt  }

</sc_bundles>
